<compile_context>
chip_gen: v7x
topology: tpu7x:2x2x1
jax: 0.10.2.dev20260603
libtpu: 0.0.44.dev20260713+nightly
codegen_flags: <defaults>
</compile_context>

<pallas_src>
import functools

import jax
import jax.numpy as jnp
from jax import lax
from jax.experimental import pallas as pl
from jax.experimental.pallas import tpu as pltpu
from jax.experimental.pallas import tpu_sc as plsc

B = 8
N = 100000
M = 128
NC = 2
NS = 16
CHUNKS = 4
C = 25024
NEG = float("-inf")


def _build(b, n, m, c_pad, interpret=False):
    chunks = CHUNKS
    npad = chunks * c_pad
    nslices = c_pad // 16
    mesh = plsc.VectorSubcoreMesh(
        core_axis_name="c", subcore_axis_name="s",
        num_cores=NC, num_subcores=NS)

    @functools.partial(
        pl.kernel,
        out_type=jax.ShapeDtypeStruct((b * m,), jnp.int32),
        mesh=mesh,
        compiler_params=pltpu.CompilerParams(use_tc_tiling_on_sc=False,
                                             needs_layout_passes=False),
        interpret=interpret,
        scratch_types=[
            pltpu.VMEM((3, c_pad), jnp.float32),
            pltpu.VMEM((c_pad,), jnp.float32),
            pltpu.VMEM((m,), jnp.int32),
            pltpu.VMEM((16,), jnp.float32),
            pltpu.VMEM((16,), jnp.int32),
            pltpu.VMEM((chunks, 16), jnp.float32),
            pltpu.VMEM_SHARED((NS, 16), jnp.float32),
        ],
    )
    def fps(pts_hbm, out_hbm, pts_v, md_v, out_v, pubv, bidxbuf,
            redv_l, shv):
        c = lax.axis_index("c")
        s = lax.axis_index("s")
        batch = c * (b // NC) + s // chunks
        bl = s // chunks
        chunk = s % chunks
        base = chunk * c_pad

        lanes = lax.iota(jnp.int32, 16)
        lane0 = lanes == 0
        zero16 = jnp.zeros((16,), jnp.int32)

        for k in range(3):
            flatbase = (k * b + batch) * npad + base
            pltpu.sync_copy(pts_hbm.at[pl.ds(flatbase, c_pad)], pts_v.at[k])

        @plsc.parallel_loop(0, c_pad, 16, unroll=4)
        def _init(off):
            gidx = base + off + lanes
            md_v[pl.ds(off, 16)] = jnp.where(
                gidx < n, jnp.float32(jnp.inf), NEG)

        rowsel = jnp.clip(lanes - 1, 0, 2)

        def publish_combine(mval, coords, gidxv):
            row = jnp.where(lanes == 0, jnp.full((16,), mval, jnp.float32),
                            coords)
            row = jnp.where(lanes == 4, plsc.bitcast(gidxv, jnp.float32),
                            row)
            pubv[...] = row
            pltpu.sync_copy(pubv, shv.at[s])
            plsc.subcore_barrier()
            pltpu.sync_copy(shv.at[pl.ds(bl * chunks, chunks)], redv_l)
            rv0 = redv_l[0]
            ri0 = plsc.bitcast(rv0, jnp.int32)
            vb = rv0[0]
            gb = ri0[4]
            cxb = rv0[1]
            cyb = rv0[2]
            czb = rv0[3]
            for r in range(1, chunks):
                rvr = redv_l[r]
                rir = plsc.bitcast(rvr, jnp.int32)
                vr = rvr[0]
                p = vr > vb
                vb = jnp.where(p, vr, vb)
                gb = jnp.where(p, rir[4], gb)
                cxb = jnp.where(p, rvr[1], cxb)
                cyb = jnp.where(p, rvr[2], cyb)
                czb = jnp.where(p, rvr[3], czb)
            return gb, cxb, cyb, czb

        mval0 = jnp.where(chunk == 0, jnp.float32(1.0), NEG)
        coords0 = plsc.load_gather(pts_v, [rowsel, zero16])
        init_carry = publish_combine(mval0, coords0, zero16 + base)

        def step(t, carry):
            g, cx, cy, cz = carry
            gv = jnp.full((16,), g, jnp.int32)
            plsc.store_scatter(out_v, [jnp.full((16,), t, jnp.int32)], gv,
                               mask=lane0)
            lloc = g - base
            own = (lloc >= 0) & (lloc < c_pad)
            lclamp = jnp.clip(lloc, 0, c_pad - 1)
            plsc.store_scatter(md_v, [jnp.full((16,), lclamp, jnp.int32)],
                               jnp.full((16,), -1.0, jnp.float32),
                               mask=lane0 & jnp.full((16,), own))
            cxv = jnp.full((16,), cx, jnp.float32)
            cyv = jnp.full((16,), cy, jnp.float32)
            czv = jnp.full((16,), cz, jnp.float32)

            @plsc.parallel_loop(
                0, c_pad, 32, unroll=4,
                carry=(jnp.full((16,), NEG, jnp.float32), lanes))
            def scan(off, car):
                best, bidx = car
                for k in range(2):
                    o = off + k * 16
                    x = pts_v[0, pl.ds(o, 16)]
                    y = pts_v[1, pl.ds(o, 16)]
                    z = pts_v[2, pl.ds(o, 16)]
                    dx = x - cxv
                    dy = y - cyv
                    dz = z - czv
                    d = dx * dx + dy * dy + dz * dz
                    md = md_v[pl.ds(o, 16)]
                    mm = jnp.minimum(md, d)
                    md_v[pl.ds(o, 16)] = mm
                    upd = mm > best
                    best = jnp.where(upd, mm, best)
                    bidx = jnp.where(upd, o + lanes, bidx)
                return best, bidx

            best, bidx = scan

            mx = jnp.max(best)
            eq = best == jnp.full((16,), mx, jnp.float32)
            lane = plsc.all_reduce_ffs(eq)
            lanev = (lane if lane.shape == (16,)
                     else jnp.full((16,), lane, jnp.int32))
            bidxbuf[...] = bidx
            lbest = plsc.load_gather(bidxbuf, [lanev])
            coordsb = plsc.load_gather(pts_v, [rowsel, lbest])
            return publish_combine(mx, coordsb, lbest + base)

        lax.fori_loop(0, m, step, init_carry)

        pltpu.sync_copy(out_v, out_hbm.at[pl.ds(batch * m, m)])

    def wrapper(points):
        pts = jnp.transpose(points, (2, 0, 1))
        pts = jnp.pad(pts, ((0, 0), (0, 0), (0, npad - n)))
        return fps(pts.reshape(-1)).reshape(b, m)

    return wrapper


_fps_cache = None


def kernel(points):
    global _fps_cache
    if _fps_cache is None:
        _fps_cache = _build(B, N, M, C)
    return _fps_cache(points)

# --- scband reference (transcript-rebuilt; emitter-appended) ---
"""Pipeline reference for scband-model-23880018165857 (READ-ONLY COPY).

The authoritative reference and input builder live on the scoring server;
editing this copy changes nothing except your own understanding.
"""

import jax, jax.numpy as jnp
import numpy as np

NUM_SAMPLES = 128


def setup_inputs(seed: int = 0) -> dict:
    key = jax.random.key(seed)
    points = jax.random.normal(key, (8, 100000, 3), dtype=jnp.float32)
    return {"points": points}


def reference(points):
    """Farthest Point Sampling: greedy, first index fixed to 0.

    Args:
        points: (B, N, 3) float coordinates.
    Returns:
        indices: (B, M) int32 chosen indices in [0, N).
    """
    B, N, _ = points.shape
    M = NUM_SAMPLES
    batch_idx = jnp.arange(B)

    def step(carry, _):
        min_dist_sq, farthest = carry
        # gather current centers: (B, 3)
        center = points[batch_idx, farthest]
        # squared distance of every point to current center: (B, N)
        dist_sq = jnp.sum((points - center[:, None, :]) ** 2, axis=-1)
        min_dist_sq = jnp.minimum(min_dist_sq, dist_sq)
        # mark chosen points so they are never re-selected
        min_dist_sq = min_dist_sq.at[batch_idx, farthest].set(-1.0)
        new_farthest = jnp.argmax(min_dist_sq, axis=-1).astype(jnp.int32)
        return (min_dist_sq, new_farthest), farthest

    init = (
        jnp.full((B, N), jnp.inf, dtype=points.dtype),
        jnp.zeros((B,), dtype=jnp.int32),  # first index fixed to 0
    )
    (_, _), idx_seq = jax.lax.scan(step, init, None, length=M)
    # idx_seq: (M, B) -> (B, M)
    return jnp.transpose(idx_seq, (1, 0))

if __name__ == "__main__":
    import jax
    _d = setup_inputs()
    print(jax.jit(kernel)(*tuple(_d.values())))

</pallas_src>

<mosaic_0001>
#map = affine_map<(d0, d1) -> (0)>
module attributes {stable_mosaic.version = 14 : i64} {
  func.func @fps(%arg0: i32, %arg1: i32, %arg2: memref<2402304xf32, #tpu.memory_space<hbm>>, %arg3: memref<1024xi32, #tpu.memory_space<hbm>>, %arg4: memref<3x25024xf32, #tpu.memory_space<vmem>>, %arg5: memref<25024xf32, #tpu.memory_space<vmem>>, %arg6: memref<128xi32, #tpu.memory_space<vmem>>, %arg7: memref<16xf32, #tpu.memory_space<vmem>>, %arg8: memref<16xi32, #tpu.memory_space<vmem>>, %arg9: memref<4x16xf32, #tpu.memory_space<vmem>>, %arg10: memref<16x16xf32, #tpu.memory_space<vmem_shared>>) attributes {dimension_semantics = [#tpu.dimension_semantics<core_parallel>, #tpu.dimension_semantics<subcore_parallel>], iteration_bounds = array<i64: 2, 16>, scalar_prefetch = 0 : i64, scratch_operands = 7 : i64, tpu.core_type = #tpu.core_type<sc_vector_subcore>, window_params = [{transform_indices = #map}, {transform_indices = #map}]} {
    %mul3A = arith.constant 4 : i32
    %mul3A_0 = arith.muli %arg0, %mul3A : i32
    %jit3A = arith.constant 4 : i32
    %div3A = arith.divsi %arg1, %jit3A : i32
    %sign3A = arith.constant 0 : i32
    %sign3A_1 = arith.cmpi sgt, %arg1, %sign3A : i32
    %sign3A_2 = arith.extui %sign3A_1 : i1 to i32
    %sign3A_3 = arith.constant 0 : i32
    %sign3A_4 = arith.cmpi slt, %arg1, %sign3A_3 : i32
    %sign3A_5 = arith.extui %sign3A_4 : i1 to i32
    %sign3A_6 = arith.subi %sign3A_2, %sign3A_5 : i32
    %sign3A_7 = arith.constant 0 : i32
    %sign3A_8 = arith.cmpi sgt, %jit3A, %sign3A_7 : i32
    %sign3A_9 = arith.extui %sign3A_8 : i1 to i32
    %sign3A_10 = arith.constant 0 : i32
    %sign3A_11 = arith.cmpi slt, %jit3A, %sign3A_10 : i32
    %sign3A_12 = arith.extui %sign3A_11 : i1 to i32
    %sign3A_13 = arith.subi %sign3A_9, %sign3A_12 : i32
    %ne3A = arith.cmpi ne, %sign3A_6, %sign3A_13 : i32
    %rem3A = arith.remsi %arg1, %jit3A : i32
    %ne3A_14 = arith.constant 0 : i32
    %ne3A_15 = arith.cmpi ne, %rem3A, %ne3A_14 : i32
    %and3A = arith.andi %ne3A, %ne3A_15 : i1
    %sub3A = arith.constant 1 : i32
    %sub3A_16 = arith.subi %div3A, %sub3A : i32
    %select_n3A = arith.select %and3A, %sub3A_16, %div3A : i32
    %add3A = arith.addi %mul3A_0, %select_n3A : i32
    %jit3A_17 = arith.constant 4 : i32
    %div3A_18 = arith.divsi %arg1, %jit3A_17 : i32
    %sign3A_19 = arith.constant 0 : i32
    %sign3A_20 = arith.cmpi sgt, %arg1, %sign3A_19 : i32
    %sign3A_21 = arith.extui %sign3A_20 : i1 to i32
    %sign3A_22 = arith.constant 0 : i32
    %sign3A_23 = arith.cmpi slt, %arg1, %sign3A_22 : i32
    %sign3A_24 = arith.extui %sign3A_23 : i1 to i32
    %sign3A_25 = arith.subi %sign3A_21, %sign3A_24 : i32
    %sign3A_26 = arith.constant 0 : i32
    %sign3A_27 = arith.cmpi sgt, %jit3A_17, %sign3A_26 : i32
    %sign3A_28 = arith.extui %sign3A_27 : i1 to i32
    %sign3A_29 = arith.constant 0 : i32
    %sign3A_30 = arith.cmpi slt, %jit3A_17, %sign3A_29 : i32
    %sign3A_31 = arith.extui %sign3A_30 : i1 to i32
    %sign3A_32 = arith.subi %sign3A_28, %sign3A_31 : i32
    %ne3A_33 = arith.cmpi ne, %sign3A_25, %sign3A_32 : i32
    %rem3A_34 = arith.remsi %arg1, %jit3A_17 : i32
    %ne3A_35 = arith.constant 0 : i32
    %ne3A_36 = arith.cmpi ne, %rem3A_34, %ne3A_35 : i32
    %and3A_37 = arith.andi %ne3A_33, %ne3A_36 : i1
    %sub3A_38 = arith.constant 1 : i32
    %sub3A_39 = arith.subi %div3A_18, %sub3A_38 : i32
    %select_n3A_40 = arith.select %and3A_37, %sub3A_39, %div3A_18 : i32
    %jit3A_41 = arith.constant 4 : i32
    %eq3A = arith.constant 0 : i32
    %eq3A_42 = arith.cmpi eq, %jit3A_41, %eq3A : i32
    %jit3A_43 = arith.constant 1 : i32
    %select_n3A_44 = arith.select %eq3A_42, %jit3A_43, %jit3A_41 : i32
    %rem3A_45 = arith.remsi %arg1, %select_n3A_44 : i32
    %ne3A_46 = arith.constant 0 : i32
    %ne3A_47 = arith.cmpi ne, %rem3A_45, %ne3A_46 : i32
    %lt3A = arith.constant 0 : i32
    %lt3A_48 = arith.cmpi slt, %rem3A_45, %lt3A : i32
    %lt3A_49 = arith.constant 0 : i32
    %lt3A_50 = arith.cmpi slt, %select_n3A_44, %lt3A_49 : i32
    %ne3A_51 = arith.xori %lt3A_48, %lt3A_50 : i1
    %and3A_52 = arith.andi %ne3A_51, %ne3A_47 : i1
    %add3A_53 = arith.addi %rem3A_45, %select_n3A_44 : i32
    %select_n3A_54 = arith.select %and3A_52, %add3A_53, %rem3A_45 : i32
    %mul3A_55 = arith.constant 25024 : i32
    %mul3A_56 = arith.muli %select_n3A_54, %mul3A_55 : i32
    %iota3A = tpu.iota {dimensions = array<i32: 0>} : vector<16xi32>
    %eq3A_57 = arith.constant 0 : i32
    %eq3A_58 = vector.broadcast %eq3A_57 : i32 to vector<16xi32>
    %eq3A_59 = arith.cmpi eq, %iota3A, %eq3A_58 : vector<16xi32>
    %broadcast_in_dim3A = arith.constant 0 : i32
    %broadcast_in_dim3A_60 = vector.broadcast %broadcast_in_dim3A : i32 to vector<16xi32>
    %add3A_61 = arith.constant 0 : i32
    %add3A_62 = arith.addi %add3A_61, %add3A : i32
    %mul3A_63 = arith.constant 100096 : i32
    %mul3A_64 = arith.muli %add3A_62, %mul3A_63 : i32
    %add3A_65 = arith.addi %mul3A_64, %mul3A_56 : i32
    %run_scoped3A = arith.constant 0 : i32
    "tpu.region"() ({
      %run_scoped3A_187 = tpu.sem_alloc : memref<!tpu.dma_semaphore, #tpu.memory_space<semaphore_mem>>
      %dma_start3A = arith.constant 0 : i32
      %dma_start3A_188 = tpu.memref_slice %arg4[%run_scoped3A, %dma_start3A] : memref<3x25024xf32, #tpu.memory_space<vmem>> -> memref<1x25024xf32, #tpu.memory_space<vmem>>
      %dma_start3A_189 = tpu.memref_squeeze %dma_start3A_188 : memref<1x25024xf32, #tpu.memory_space<vmem>> -> memref<25024xf32, #tpu.memory_space<vmem>>
      %dma_start3A_190 = tpu.memref_slice %arg2[%add3A_65] : memref<2402304xf32, #tpu.memory_space<hbm>> -> memref<25024xf32, #tpu.memory_space<hbm>>
      %dma_start3A_191 = arith.constant 0 : i32
      %dma_start3A_192 = tpu.memref_slice %arg4[%run_scoped3A, %dma_start3A_191] : memref<3x25024xf32, #tpu.memory_space<vmem>> -> memref<1x25024xf32, #tpu.memory_space<vmem>>
      %dma_start3A_193 = tpu.memref_squeeze %dma_start3A_192 : memref<1x25024xf32, #tpu.memory_space<vmem>> -> memref<25024xf32, #tpu.memory_space<vmem>>
      %dma_start3A_194 = tpu.memref_slice %arg2[%add3A_65] : memref<2402304xf32, #tpu.memory_space<hbm>> -> memref<25024xf32, #tpu.memory_space<hbm>>
      tpu.enqueue_dma source(%dma_start3A_194 : memref<25024xf32, #tpu.memory_space<hbm>>) target(%dma_start3A_193 : memref<25024xf32, #tpu.memory_space<vmem>>) target_semaphore(%run_scoped3A_187 : memref<!tpu.dma_semaphore, #tpu.memory_space<semaphore_mem>>)
      %dma_wait3A = arith.constant 0 : i32
      %dma_wait3A_195 = tpu.memref_slice %arg4[%run_scoped3A, %dma_wait3A] : memref<3x25024xf32, #tpu.memory_space<vmem>> -> memref<1x25024xf32, #tpu.memory_space<vmem>>
      %dma_wait3A_196 = tpu.memref_squeeze %dma_wait3A_195 : memref<1x25024xf32, #tpu.memory_space<vmem>> -> memref<25024xf32, #tpu.memory_space<vmem>>
      %dma_wait3A_197 = tpu.memref_slice %arg2[%add3A_65] : memref<2402304xf32, #tpu.memory_space<hbm>> -> memref<25024xf32, #tpu.memory_space<hbm>>
      %dma_wait3A_198 = arith.constant 0 : i32
      %dma_wait3A_199 = tpu.memref_slice %arg4[%run_scoped3A, %dma_wait3A_198] : memref<3x25024xf32, #tpu.memory_space<vmem>> -> memref<1x25024xf32, #tpu.memory_space<vmem>>
      %dma_wait3A_200 = tpu.memref_squeeze %dma_wait3A_199 : memref<1x25024xf32, #tpu.memory_space<vmem>> -> memref<25024xf32, #tpu.memory_space<vmem>>
      %dma_wait3A_201 = tpu.memref_slice %arg2[%add3A_65] : memref<2402304xf32, #tpu.memory_space<hbm>> -> memref<25024xf32, #tpu.memory_space<hbm>>
      tpu.wait_dma2 semaphore(%run_scoped3A_187 : memref<!tpu.dma_semaphore, #tpu.memory_space<semaphore_mem>>) src(%dma_wait3A_201 : memref<25024xf32, #tpu.memory_space<hbm>>) dst(%dma_wait3A_200 : memref<25024xf32, #tpu.memory_space<vmem>>)
      tpu.yield
    }) : () -> ()
    %add3A_66 = arith.constant 8 : i32
    %add3A_67 = arith.addi %add3A_66, %add3A : i32
    %mul3A_68 = arith.constant 100096 : i32
    %mul3A_69 = arith.muli %add3A_67, %mul3A_68 : i32
    %add3A_70 = arith.addi %mul3A_69, %mul3A_56 : i32
    %run_scoped3A_71 = arith.constant 1 : i32
    "tpu.region"() ({
      %run_scoped3A_187 = tpu.sem_alloc : memref<!tpu.dma_semaphore, #tpu.memory_space<semaphore_mem>>
      %dma_start3A = arith.constant 0 : i32
      %dma_start3A_188 = tpu.memref_slice %arg4[%run_scoped3A_71, %dma_start3A] : memref<3x25024xf32, #tpu.memory_space<vmem>> -> memref<1x25024xf32, #tpu.memory_space<vmem>>
      %dma_start3A_189 = tpu.memref_squeeze %dma_start3A_188 : memref<1x25024xf32, #tpu.memory_space<vmem>> -> memref<25024xf32, #tpu.memory_space<vmem>>
      %dma_start3A_190 = tpu.memref_slice %arg2[%add3A_70] : memref<2402304xf32, #tpu.memory_space<hbm>> -> memref<25024xf32, #tpu.memory_space<hbm>>
      %dma_start3A_191 = arith.constant 0 : i32
      %dma_start3A_192 = tpu.memref_slice %arg4[%run_scoped3A_71, %dma_start3A_191] : memref<3x25024xf32, #tpu.memory_space<vmem>> -> memref<1x25024xf32, #tpu.memory_space<vmem>>
      %dma_start3A_193 = tpu.memref_squeeze %dma_start3A_192 : memref<1x25024xf32, #tpu.memory_space<vmem>> -> memref<25024xf32, #tpu.memory_space<vmem>>
      %dma_start3A_194 = tpu.memref_slice %arg2[%add3A_70] : memref<2402304xf32, #tpu.memory_space<hbm>> -> memref<25024xf32, #tpu.memory_space<hbm>>
      tpu.enqueue_dma source(%dma_start3A_194 : memref<25024xf32, #tpu.memory_space<hbm>>) target(%dma_start3A_193 : memref<25024xf32, #tpu.memory_space<vmem>>) target_semaphore(%run_scoped3A_187 : memref<!tpu.dma_semaphore, #tpu.memory_space<semaphore_mem>>)
      %dma_wait3A = arith.constant 0 : i32
      %dma_wait3A_195 = tpu.memref_slice %arg4[%run_scoped3A_71, %dma_wait3A] : memref<3x25024xf32, #tpu.memory_space<vmem>> -> memref<1x25024xf32, #tpu.memory_space<vmem>>
      %dma_wait3A_196 = tpu.memref_squeeze %dma_wait3A_195 : memref<1x25024xf32, #tpu.memory_space<vmem>> -> memref<25024xf32, #tpu.memory_space<vmem>>
      %dma_wait3A_197 = tpu.memref_slice %arg2[%add3A_70] : memref<2402304xf32, #tpu.memory_space<hbm>> -> memref<25024xf32, #tpu.memory_space<hbm>>
      %dma_wait3A_198 = arith.constant 0 : i32
      %dma_wait3A_199 = tpu.memref_slice %arg4[%run_scoped3A_71, %dma_wait3A_198] : memref<3x25024xf32, #tpu.memory_space<vmem>> -> memref<1x25024xf32, #tpu.memory_space<vmem>>
      %dma_wait3A_200 = tpu.memref_squeeze %dma_wait3A_199 : memref<1x25024xf32, #tpu.memory_space<vmem>> -> memref<25024xf32, #tpu.memory_space<vmem>>
      %dma_wait3A_201 = tpu.memref_slice %arg2[%add3A_70] : memref<2402304xf32, #tpu.memory_space<hbm>> -> memref<25024xf32, #tpu.memory_space<hbm>>
      tpu.wait_dma2 semaphore(%run_scoped3A_187 : memref<!tpu.dma_semaphore, #tpu.memory_space<semaphore_mem>>) src(%dma_wait3A_201 : memref<25024xf32, #tpu.memory_space<hbm>>) dst(%dma_wait3A_200 : memref<25024xf32, #tpu.memory_space<vmem>>)
      tpu.yield
    }) : () -> ()
    %add3A_72 = arith.constant 16 : i32
    %add3A_73 = arith.addi %add3A_72, %add3A : i32
    %mul3A_74 = arith.constant 100096 : i32
    %mul3A_75 = arith.muli %add3A_73, %mul3A_74 : i32
    %add3A_76 = arith.addi %mul3A_75, %mul3A_56 : i32
    %run_scoped3A_77 = arith.constant 2 : i32
    "tpu.region"() ({
      %run_scoped3A_187 = tpu.sem_alloc : memref<!tpu.dma_semaphore, #tpu.memory_space<semaphore_mem>>
      %dma_start3A = arith.constant 0 : i32
      %dma_start3A_188 = tpu.memref_slice %arg4[%run_scoped3A_77, %dma_start3A] : memref<3x25024xf32, #tpu.memory_space<vmem>> -> memref<1x25024xf32, #tpu.memory_space<vmem>>
      %dma_start3A_189 = tpu.memref_squeeze %dma_start3A_188 : memref<1x25024xf32, #tpu.memory_space<vmem>> -> memref<25024xf32, #tpu.memory_space<vmem>>
      %dma_start3A_190 = tpu.memref_slice %arg2[%add3A_76] : memref<2402304xf32, #tpu.memory_space<hbm>> -> memref<25024xf32, #tpu.memory_space<hbm>>
      %dma_start3A_191 = arith.constant 0 : i32
      %dma_start3A_192 = tpu.memref_slice %arg4[%run_scoped3A_77, %dma_start3A_191] : memref<3x25024xf32, #tpu.memory_space<vmem>> -> memref<1x25024xf32, #tpu.memory_space<vmem>>
      %dma_start3A_193 = tpu.memref_squeeze %dma_start3A_192 : memref<1x25024xf32, #tpu.memory_space<vmem>> -> memref<25024xf32, #tpu.memory_space<vmem>>
      %dma_start3A_194 = tpu.memref_slice %arg2[%add3A_76] : memref<2402304xf32, #tpu.memory_space<hbm>> -> memref<25024xf32, #tpu.memory_space<hbm>>
      tpu.enqueue_dma source(%dma_start3A_194 : memref<25024xf32, #tpu.memory_space<hbm>>) target(%dma_start3A_193 : memref<25024xf32, #tpu.memory_space<vmem>>) target_semaphore(%run_scoped3A_187 : memref<!tpu.dma_semaphore, #tpu.memory_space<semaphore_mem>>)
      %dma_wait3A = arith.constant 0 : i32
      %dma_wait3A_195 = tpu.memref_slice %arg4[%run_scoped3A_77, %dma_wait3A] : memref<3x25024xf32, #tpu.memory_space<vmem>> -> memref<1x25024xf32, #tpu.memory_space<vmem>>
      %dma_wait3A_196 = tpu.memref_squeeze %dma_wait3A_195 : memref<1x25024xf32, #tpu.memory_space<vmem>> -> memref<25024xf32, #tpu.memory_space<vmem>>
      %dma_wait3A_197 = tpu.memref_slice %arg2[%add3A_76] : memref<2402304xf32, #tpu.memory_space<hbm>> -> memref<25024xf32, #tpu.memory_space<hbm>>
      %dma_wait3A_198 = arith.constant 0 : i32
      %dma_wait3A_199 = tpu.memref_slice %arg4[%run_scoped3A_77, %dma_wait3A_198] : memref<3x25024xf32, #tpu.memory_space<vmem>> -> memref<1x25024xf32, #tpu.memory_space<vmem>>
      %dma_wait3A_200 = tpu.memref_squeeze %dma_wait3A_199 : memref<1x25024xf32, #tpu.memory_space<vmem>> -> memref<25024xf32, #tpu.memory_space<vmem>>
      %dma_wait3A_201 = tpu.memref_slice %arg2[%add3A_76] : memref<2402304xf32, #tpu.memory_space<hbm>> -> memref<25024xf32, #tpu.memory_space<hbm>>
      tpu.wait_dma2 semaphore(%run_scoped3A_187 : memref<!tpu.dma_semaphore, #tpu.memory_space<semaphore_mem>>) src(%dma_wait3A_201 : memref<25024xf32, #tpu.memory_space<hbm>>) dst(%dma_wait3A_200 : memref<25024xf32, #tpu.memory_space<vmem>>)
      tpu.yield
    }) : () -> ()
    %parallel_loop3A = arith.constant 0 : i32
    %parallel_loop3A_78 = arith.constant 25024 : i32
    %parallel_loop3A_79 = arith.constant 16 : i32
    scf.for %parallel_loop3A_187 = %parallel_loop3A to %parallel_loop3A_78 step %parallel_loop3A_79  : i32 {
      %parallel_loop3A_188 = arith.addi %mul3A_56, %parallel_loop3A_187 : i32
      %parallel_loop3A_189 = vector.broadcast %parallel_loop3A_188 : i32 to vector<16xi32>
      %parallel_loop3A_190 = arith.addi %parallel_loop3A_189, %iota3A : vector<16xi32>
      %parallel_loop3A_191 = arith.constant 100000 : i32
      %parallel_loop3A_192 = vector.broadcast %parallel_loop3A_191 : i32 to vector<16xi32>
      %parallel_loop3A_193 = arith.cmpi slt, %parallel_loop3A_190, %parallel_loop3A_192 : vector<16xi32>
      %parallel_loop3A_194 = arith.constant 0x7F800000 : f32
      %parallel_loop3A_195 = arith.constant 0xFF800000 : f32
      %parallel_loop3A_196 = vector.broadcast %parallel_loop3A_194 : f32 to vector<16xf32>
      %parallel_loop3A_197 = vector.broadcast %parallel_loop3A_195 : f32 to vector<16xf32>
      %parallel_loop3A_198 = arith.select %parallel_loop3A_193, %parallel_loop3A_196, %parallel_loop3A_197 : vector<16xi1>, vector<16xf32>
      %parallel_loop3A_199 = arith.index_cast %parallel_loop3A_187 : i32 to index
      %parallel_loop3A_200 = tpu.vector_load %arg5[%parallel_loop3A_199] {strides = array<i32>} : memref<25024xf32, #tpu.memory_space<vmem>>, vector<16xf32>,
      tpu.vector_store %arg5[%parallel_loop3A_199], %parallel_loop3A_198 {strides = array<i32>} : memref<25024xf32, #tpu.memory_space<vmem>>, vector<16xf32>,
    } {sc.loop_unroll_factor = 4 : i64, sc.parallel_access}
    %sub3A_80 = arith.constant 1 : i32
    %sub3A_81 = vector.broadcast %sub3A_80 : i32 to vector<16xi32>
    %sub3A_82 = arith.subi %iota3A, %sub3A_81 : vector<16xi32>
    %jit3A_83 = arith.constant 0 : i32
    %jit3A_84 = arith.constant 2 : i32
    %max3A = vector.broadcast %jit3A_83 : i32 to vector<16xi32>
    %max3A_85 = arith.maxsi %max3A, %sub3A_82 : vector<16xi32>
    %min3A = vector.broadcast %jit3A_84 : i32 to vector<16xi32>
    %min3A_86 = arith.minsi %min3A, %max3A_85 : vector<16xi32>
    %eq3A_87 = arith.constant 0 : i32
    %eq3A_88 = arith.cmpi eq, %select_n3A_54, %eq3A_87 : i32
    %jit3A_89 = arith.constant 1.000000e+00 : f32
    %jit3A_90 = arith.constant 0xFF800000 : f32
    %select_n3A_91 = arith.select %eq3A_88, %jit3A_89, %jit3A_90 : f32
    %gather3A = tpu.vector_load_idx %arg4[%min3A_86, %broadcast_in_dim3A_60] : memref<3x25024xf32, #tpu.memory_space<vmem>>[vector<16xi32>, vector<16xi32>], vector<16xf32>,
    %add3A_92 = vector.broadcast %mul3A_56 : i32 to vector<16xi32>
    %add3A_93 = arith.addi %broadcast_in_dim3A_60, %add3A_92 : vector<16xi32>
    %eq3A_94 = arith.constant 0 : i32
    %eq3A_95 = vector.broadcast %eq3A_94 : i32 to vector<16xi32>
    %eq3A_96 = arith.cmpi eq, %iota3A, %eq3A_95 : vector<16xi32>
    %broadcast_in_dim3A_97 = vector.broadcast %select_n3A_91 : f32 to vector<16xf32>
    %select_n3A_98 = arith.select %eq3A_96, %broadcast_in_dim3A_97, %gather3A : vector<16xi1>, vector<16xf32>
    %eq3A_99 = arith.constant 4 : i32
    %eq3A_100 = vector.broadcast %eq3A_99 : i32 to vector<16xi32>
    %eq3A_101 = arith.cmpi eq, %iota3A, %eq3A_100 : vector<16xi32>
    %bitcast3A = vector.bitcast %add3A_93 : vector<16xi32> to vector<16xf32>
    %select_n3A_102 = arith.select %eq3A_101, %bitcast3A, %select_n3A_98 : vector<16xi1>, vector<16xf32>
    %swap3A = arith.constant 0 : index
    %swap3A_103 = tpu.vector_load %arg7[%swap3A] {strides = array<i32>} : memref<16xf32, #tpu.memory_space<vmem>>, vector<16xf32>,
    tpu.vector_store %arg7[%swap3A], %select_n3A_102 {strides = array<i32>} : memref<16xf32, #tpu.memory_space<vmem>>, vector<16xf32>,
    "tpu.region"() ({
      %run_scoped3A_187 = tpu.sem_alloc : memref<!tpu.dma_semaphore, #tpu.memory_space<semaphore_mem>>
      %dma_start3A = arith.constant 0 : i32
      %dma_start3A_188 = tpu.memref_slice %arg10[%arg1, %dma_start3A] : memref<16x16xf32, #tpu.memory_space<vmem_shared>> -> memref<1x16xf32, #tpu.memory_space<vmem_shared>>
      %dma_start3A_189 = tpu.memref_squeeze %dma_start3A_188 : memref<1x16xf32, #tpu.memory_space<vmem_shared>> -> memref<16xf32, #tpu.memory_space<vmem_shared>>
      %dma_start3A_190 = arith.constant 0 : i32
      %dma_start3A_191 = tpu.memref_slice %arg10[%arg1, %dma_start3A_190] : memref<16x16xf32, #tpu.memory_space<vmem_shared>> -> memref<1x16xf32, #tpu.memory_space<vmem_shared>>
      %dma_start3A_192 = tpu.memref_squeeze %dma_start3A_191 : memref<1x16xf32, #tpu.memory_space<vmem_shared>> -> memref<16xf32, #tpu.memory_space<vmem_shared>>
      tpu.enqueue_dma source(%arg7 : memref<16xf32, #tpu.memory_space<vmem>>) target(%dma_start3A_192 : memref<16xf32, #tpu.memory_space<vmem_shared>>) target_semaphore(%run_scoped3A_187 : memref<!tpu.dma_semaphore, #tpu.memory_space<semaphore_mem>>)
      %dma_wait3A = arith.constant 0 : i32
      %dma_wait3A_193 = tpu.memref_slice %arg10[%arg1, %dma_wait3A] : memref<16x16xf32, #tpu.memory_space<vmem_shared>> -> memref<1x16xf32, #tpu.memory_space<vmem_shared>>
      %dma_wait3A_194 = tpu.memref_squeeze %dma_wait3A_193 : memref<1x16xf32, #tpu.memory_space<vmem_shared>> -> memref<16xf32, #tpu.memory_space<vmem_shared>>
      %dma_wait3A_195 = arith.constant 0 : i32
      %dma_wait3A_196 = tpu.memref_slice %arg10[%arg1, %dma_wait3A_195] : memref<16x16xf32, #tpu.memory_space<vmem_shared>> -> memref<1x16xf32, #tpu.memory_space<vmem_shared>>
      %dma_wait3A_197 = tpu.memref_squeeze %dma_wait3A_196 : memref<1x16xf32, #tpu.memory_space<vmem_shared>> -> memref<16xf32, #tpu.memory_space<vmem_shared>>
      tpu.wait_dma2 semaphore(%run_scoped3A_187 : memref<!tpu.dma_semaphore, #tpu.memory_space<semaphore_mem>>) src(%arg7 : memref<16xf32, #tpu.memory_space<vmem>>) dst(%dma_wait3A_197 : memref<16xf32, #tpu.memory_space<vmem_shared>>)
      tpu.yield
    }) : () -> ()
    %barrier3A = arith.constant 0 : index
    tpu.barrier barrier_id(%barrier3A)
    %mul3A_104 = arith.constant 4 : i32
    %mul3A_105 = arith.muli %select_n3A_40, %mul3A_104 : i32
    "tpu.region"() ({
      %run_scoped3A_187 = tpu.sem_alloc : memref<!tpu.dma_semaphore, #tpu.memory_space<semaphore_mem>>
      %dma_start3A = arith.constant 0 : i32
      %dma_start3A_188 = tpu.memref_slice %arg10[%mul3A_105, %dma_start3A] : memref<16x16xf32, #tpu.memory_space<vmem_shared>> -> memref<4x16xf32, #tpu.memory_space<vmem_shared>>
      %dma_start3A_189 = arith.constant 0 : i32
      %dma_start3A_190 = tpu.memref_slice %arg10[%mul3A_105, %dma_start3A_189] : memref<16x16xf32, #tpu.memory_space<vmem_shared>> -> memref<4x16xf32, #tpu.memory_space<vmem_shared>>
      tpu.enqueue_dma source(%dma_start3A_190 : memref<4x16xf32, #tpu.memory_space<vmem_shared>>) target(%arg9 : memref<4x16xf32, #tpu.memory_space<vmem>>) target_semaphore(%run_scoped3A_187 : memref<!tpu.dma_semaphore, #tpu.memory_space<semaphore_mem>>)
      %dma_wait3A = arith.constant 0 : i32
      %dma_wait3A_191 = tpu.memref_slice %arg10[%mul3A_105, %dma_wait3A] : memref<16x16xf32, #tpu.memory_space<vmem_shared>> -> memref<4x16xf32, #tpu.memory_space<vmem_shared>>
      %dma_wait3A_192 = arith.constant 0 : i32
      %dma_wait3A_193 = tpu.memref_slice %arg10[%mul3A_105, %dma_wait3A_192] : memref<16x16xf32, #tpu.memory_space<vmem_shared>> -> memref<4x16xf32, #tpu.memory_space<vmem_shared>>
      tpu.wait_dma2 semaphore(%run_scoped3A_187 : memref<!tpu.dma_semaphore, #tpu.memory_space<semaphore_mem>>) src(%dma_wait3A_193 : memref<4x16xf32, #tpu.memory_space<vmem_shared>>) dst(%arg9 : memref<4x16xf32, #tpu.memory_space<vmem>>)
      tpu.yield
    }) : () -> ()
    %get3A = arith.constant 0 : i32
    %get3A_106 = arith.index_cast %get3A : i32 to index
    %get3A_107 = arith.constant 0 : index
    %get3A_108 = tpu.vector_load %arg9[%get3A_106, %get3A_107] {strides = array<i32>} : memref<4x16xf32, #tpu.memory_space<vmem>>, vector<16xf32>,
    %bitcast3A_109 = vector.bitcast %get3A_108 : vector<16xf32> to vector<16xi32>
    %slice3A = vector.extract_strided_slice %get3A_108 {offsets = [0], sizes = [1], strides = [1]} : vector<16xf32> to vector<1xf32>
    %squeeze3A = vector.extract %slice3A[0] : f32 from vector<1xf32>
    %slice3A_110 = vector.extract_strided_slice %bitcast3A_109 {offsets = [4], sizes = [1], strides = [1]} : vector<16xi32> to vector<1xi32>
    %squeeze3A_111 = vector.extract %slice3A_110[0] : i32 from vector<1xi32>
    %slice3A_112 = vector.extract_strided_slice %get3A_108 {offsets = [1], sizes = [1], strides = [1]} : vector<16xf32> to vector<1xf32>
    %squeeze3A_113 = vector.extract %slice3A_112[0] : f32 from vector<1xf32>
    %slice3A_114 = vector.extract_strided_slice %get3A_108 {offsets = [2], sizes = [1], strides = [1]} : vector<16xf32> to vector<1xf32>
    %squeeze3A_115 = vector.extract %slice3A_114[0] : f32 from vector<1xf32>
    %slice3A_116 = vector.extract_strided_slice %get3A_108 {offsets = [3], sizes = [1], strides = [1]} : vector<16xf32> to vector<1xf32>
    %squeeze3A_117 = vector.extract %slice3A_116[0] : f32 from vector<1xf32>
    %get3A_118 = arith.constant 1 : i32
    %get3A_119 = arith.index_cast %get3A_118 : i32 to index
    %get3A_120 = arith.constant 0 : index
    %get3A_121 = tpu.vector_load %arg9[%get3A_119, %get3A_120] {strides = array<i32>} : memref<4x16xf32, #tpu.memory_space<vmem>>, vector<16xf32>,
    %bitcast3A_122 = vector.bitcast %get3A_121 : vector<16xf32> to vector<16xi32>
    %slice3A_123 = vector.extract_strided_slice %get3A_121 {offsets = [0], sizes = [1], strides = [1]} : vector<16xf32> to vector<1xf32>
    %squeeze3A_124 = vector.extract %slice3A_123[0] : f32 from vector<1xf32>
    %gt3A = arith.cmpf ogt, %squeeze3A_124, %squeeze3A : f32
    %select_n3A_125 = arith.select %gt3A, %squeeze3A_124, %squeeze3A : f32
    %slice3A_126 = vector.extract_strided_slice %bitcast3A_122 {offsets = [4], sizes = [1], strides = [1]} : vector<16xi32> to vector<1xi32>
    %squeeze3A_127 = vector.extract %slice3A_126[0] : i32 from vector<1xi32>
    %select_n3A_128 = arith.select %gt3A, %squeeze3A_127, %squeeze3A_111 : i32
    %slice3A_129 = vector.extract_strided_slice %get3A_121 {offsets = [1], sizes = [1], strides = [1]} : vector<16xf32> to vector<1xf32>
    %squeeze3A_130 = vector.extract %slice3A_129[0] : f32 from vector<1xf32>
    %select_n3A_131 = arith.select %gt3A, %squeeze3A_130, %squeeze3A_113 : f32
    %slice3A_132 = vector.extract_strided_slice %get3A_121 {offsets = [2], sizes = [1], strides = [1]} : vector<16xf32> to vector<1xf32>
    %squeeze3A_133 = vector.extract %slice3A_132[0] : f32 from vector<1xf32>
    %select_n3A_134 = arith.select %gt3A, %squeeze3A_133, %squeeze3A_115 : f32
    %slice3A_135 = vector.extract_strided_slice %get3A_121 {offsets = [3], sizes = [1], strides = [1]} : vector<16xf32> to vector<1xf32>
    %squeeze3A_136 = vector.extract %slice3A_135[0] : f32 from vector<1xf32>
    %select_n3A_137 = arith.select %gt3A, %squeeze3A_136, %squeeze3A_117 : f32
    %get3A_138 = arith.constant 2 : i32
    %get3A_139 = arith.index_cast %get3A_138 : i32 to index
    %get3A_140 = arith.constant 0 : index
    %get3A_141 = tpu.vector_load %arg9[%get3A_139, %get3A_140] {strides = array<i32>} : memref<4x16xf32, #tpu.memory_space<vmem>>, vector<16xf32>,
    %bitcast3A_142 = vector.bitcast %get3A_141 : vector<16xf32> to vector<16xi32>
    %slice3A_143 = vector.extract_strided_slice %get3A_141 {offsets = [0], sizes = [1], strides = [1]} : vector<16xf32> to vector<1xf32>
    %squeeze3A_144 = vector.extract %slice3A_143[0] : f32 from vector<1xf32>
    %gt3A_145 = arith.cmpf ogt, %squeeze3A_144, %select_n3A_125 : f32
    %select_n3A_146 = arith.select %gt3A_145, %squeeze3A_144, %select_n3A_125 : f32
    %slice3A_147 = vector.extract_strided_slice %bitcast3A_142 {offsets = [4], sizes = [1], strides = [1]} : vector<16xi32> to vector<1xi32>
    %squeeze3A_148 = vector.extract %slice3A_147[0] : i32 from vector<1xi32>
    %select_n3A_149 = arith.select %gt3A_145, %squeeze3A_148, %select_n3A_128 : i32
    %slice3A_150 = vector.extract_strided_slice %get3A_141 {offsets = [1], sizes = [1], strides = [1]} : vector<16xf32> to vector<1xf32>
    %squeeze3A_151 = vector.extract %slice3A_150[0] : f32 from vector<1xf32>
    %select_n3A_152 = arith.select %gt3A_145, %squeeze3A_151, %select_n3A_131 : f32
    %slice3A_153 = vector.extract_strided_slice %get3A_141 {offsets = [2], sizes = [1], strides = [1]} : vector<16xf32> to vector<1xf32>
    %squeeze3A_154 = vector.extract %slice3A_153[0] : f32 from vector<1xf32>
    %select_n3A_155 = arith.select %gt3A_145, %squeeze3A_154, %select_n3A_134 : f32
    %slice3A_156 = vector.extract_strided_slice %get3A_141 {offsets = [3], sizes = [1], strides = [1]} : vector<16xf32> to vector<1xf32>
    %squeeze3A_157 = vector.extract %slice3A_156[0] : f32 from vector<1xf32>
    %select_n3A_158 = arith.select %gt3A_145, %squeeze3A_157, %select_n3A_137 : f32
    %get3A_159 = arith.constant 3 : i32
    %get3A_160 = arith.index_cast %get3A_159 : i32 to index
    %get3A_161 = arith.constant 0 : index
    %get3A_162 = tpu.vector_load %arg9[%get3A_160, %get3A_161] {strides = array<i32>} : memref<4x16xf32, #tpu.memory_space<vmem>>, vector<16xf32>,
    %bitcast3A_163 = vector.bitcast %get3A_162 : vector<16xf32> to vector<16xi32>
    %slice3A_164 = vector.extract_strided_slice %get3A_162 {offsets = [0], sizes = [1], strides = [1]} : vector<16xf32> to vector<1xf32>
    %squeeze3A_165 = vector.extract %slice3A_164[0] : f32 from vector<1xf32>
    %gt3A_166 = arith.cmpf ogt, %squeeze3A_165, %select_n3A_146 : f32
    %select_n3A_167 = arith.select %gt3A_166, %squeeze3A_165, %select_n3A_146 : f32
    %slice3A_168 = vector.extract_strided_slice %bitcast3A_163 {offsets = [4], sizes = [1], strides = [1]} : vector<16xi32> to vector<1xi32>
    %squeeze3A_169 = vector.extract %slice3A_168[0] : i32 from vector<1xi32>
    %select_n3A_170 = arith.select %gt3A_166, %squeeze3A_169, %select_n3A_149 : i32
    %slice3A_171 = vector.extract_strided_slice %get3A_162 {offsets = [1], sizes = [1], strides = [1]} : vector<16xf32> to vector<1xf32>
    %squeeze3A_172 = vector.extract %slice3A_171[0] : f32 from vector<1xf32>
    %select_n3A_173 = arith.select %gt3A_166, %squeeze3A_172, %select_n3A_152 : f32
    %slice3A_174 = vector.extract_strided_slice %get3A_162 {offsets = [2], sizes = [1], strides = [1]} : vector<16xf32> to vector<1xf32>
    %squeeze3A_175 = vector.extract %slice3A_174[0] : f32 from vector<1xf32>
    %select_n3A_176 = arith.select %gt3A_166, %squeeze3A_175, %select_n3A_155 : f32
    %slice3A_177 = vector.extract_strided_slice %get3A_162 {offsets = [3], sizes = [1], strides = [1]} : vector<16xf32> to vector<1xf32>
    %squeeze3A_178 = vector.extract %slice3A_177[0] : f32 from vector<1xf32>
    %select_n3A_179 = arith.select %gt3A_166, %squeeze3A_178, %select_n3A_158 : f32
    %scan3A = arith.constant 0 : i32
    %scan3A_180 = arith.constant 128 : i32
    %scan3A_181 = arith.addi %scan3A, %scan3A_180 : i32
    %scan3A_182 = arith.constant 1 : i32
    %scan3A_183:4 = scf.for %scan3A_187 = %scan3A to %scan3A_181 step %scan3A_182 iter_args(%scan3A_188 = %select_n3A_170, %scan3A_189 = %select_n3A_173, %scan3A_190 = %select_n3A_176, %scan3A_191 = %select_n3A_179) -> (i32, f32, f32, f32)  : i32 {
      %broadcast_in_dim3A_192 = vector.broadcast %scan3A_188 : i32 to vector<16xi32>
      %broadcast_in_dim3A_193 = vector.broadcast %scan3A_187 : i32 to vector<16xi32>
      tpu.vector_store_idx %arg6[%broadcast_in_dim3A_193], %broadcast_in_dim3A_192 masked %eq3A_59 : memref<128xi32, #tpu.memory_space<vmem>>[vector<16xi32>], vector<16xi32>, vector<16xi1>
      %sub3A_194 = arith.subi %scan3A_188, %mul3A_56 : i32
      %ge3A = arith.constant 0 : i32
      %ge3A_195 = arith.cmpi sge, %sub3A_194, %ge3A : i32
      %lt3A_196 = arith.constant 25024 : i32
      %lt3A_197 = arith.cmpi slt, %sub3A_194, %lt3A_196 : i32
      %and3A_198 = arith.andi %ge3A_195, %lt3A_197 : i1
      %jit3A_199 = arith.constant 0 : i32
      %jit3A_200 = arith.constant 25023 : i32
      %max3A_201 = arith.maxsi %jit3A_199, %sub3A_194 : i32
      %min3A_202 = arith.minsi %jit3A_200, %max3A_201 : i32
      %broadcast_in_dim3A_203 = vector.broadcast %min3A_202 : i32 to vector<16xi32>
      %broadcast_in_dim3A_204 = arith.constant -1.000000e+00 : f32
      %broadcast_in_dim3A_205 = vector.broadcast %broadcast_in_dim3A_204 : f32 to vector<16xf32>
      %broadcast_in_dim3A_206 = vector.broadcast %and3A_198 : i1 to vector<16xi1>
      %and3A_207 = arith.andi %eq3A_59, %broadcast_in_dim3A_206 : vector<16xi1>
      tpu.vector_store_idx %arg5[%broadcast_in_dim3A_203], %broadcast_in_dim3A_205 masked %and3A_207 : memref<25024xf32, #tpu.memory_space<vmem>>[vector<16xi32>], vector<16xf32>, vector<16xi1>
      %broadcast_in_dim3A_208 = vector.broadcast %scan3A_189 : f32 to vector<16xf32>
      %broadcast_in_dim3A_209 = vector.broadcast %scan3A_190 : f32 to vector<16xf32>
      %broadcast_in_dim3A_210 = vector.broadcast %scan3A_191 : f32 to vector<16xf32>
      %broadcast_in_dim3A_211 = arith.constant 0xFF800000 : f32
      %broadcast_in_dim3A_212 = vector.broadcast %broadcast_in_dim3A_211 : f32 to vector<16xf32>
      %parallel_loop3A_213 = arith.constant 0 : i32
      %parallel_loop3A_214 = arith.constant 25024 : i32
      %parallel_loop3A_215 = arith.constant 32 : i32
      %parallel_loop3A_216:2 = scf.for %parallel_loop3A_321 = %parallel_loop3A_213 to %parallel_loop3A_214 step %parallel_loop3A_215 iter_args(%parallel_loop3A_322 = %broadcast_in_dim3A_212, %parallel_loop3A_323 = %iota3A) -> (vector<16xf32>, vector<16xi32>)  : i32 {
        %parallel_loop3A_324 = arith.constant 0 : i32
        %parallel_loop3A_325 = arith.addi %parallel_loop3A_321, %parallel_loop3A_324 : i32
        %parallel_loop3A_326 = arith.constant 0 : i32
        %parallel_loop3A_327 = arith.index_cast %parallel_loop3A_326 : i32 to index
        %parallel_loop3A_328 = arith.index_cast %parallel_loop3A_325 : i32 to index
        %parallel_loop3A_329 = tpu.vector_load %arg4[%parallel_loop3A_327, %parallel_loop3A_328] {strides = array<i32>} : memref<3x25024xf32, #tpu.memory_space<vmem>>, vector<16xf32>,
        %parallel_loop3A_330 = arith.constant 1 : i32
        %parallel_loop3A_331 = arith.index_cast %parallel_loop3A_330 : i32 to index
        %parallel_loop3A_332 = arith.index_cast %parallel_loop3A_325 : i32 to index
        %parallel_loop3A_333 = tpu.vector_load %arg4[%parallel_loop3A_331, %parallel_loop3A_332] {strides = array<i32>} : memref<3x25024xf32, #tpu.memory_space<vmem>>, vector<16xf32>,
        %parallel_loop3A_334 = arith.constant 2 : i32
        %parallel_loop3A_335 = arith.index_cast %parallel_loop3A_334 : i32 to index
        %parallel_loop3A_336 = arith.index_cast %parallel_loop3A_325 : i32 to index
        %parallel_loop3A_337 = tpu.vector_load %arg4[%parallel_loop3A_335, %parallel_loop3A_336] {strides = array<i32>} : memref<3x25024xf32, #tpu.memory_space<vmem>>, vector<16xf32>,
        %parallel_loop3A_338 = arith.subf %parallel_loop3A_329, %broadcast_in_dim3A_208 : vector<16xf32>
        %parallel_loop3A_339 = arith.subf %parallel_loop3A_333, %broadcast_in_dim3A_209 : vector<16xf32>
        %parallel_loop3A_340 = arith.subf %parallel_loop3A_337, %broadcast_in_dim3A_210 : vector<16xf32>
        %parallel_loop3A_341 = arith.mulf %parallel_loop3A_338, %parallel_loop3A_338 : vector<16xf32>
        %parallel_loop3A_342 = arith.mulf %parallel_loop3A_339, %parallel_loop3A_339 : vector<16xf32>
        %parallel_loop3A_343 = arith.addf %parallel_loop3A_341, %parallel_loop3A_342 : vector<16xf32>
        %parallel_loop3A_344 = arith.mulf %parallel_loop3A_340, %parallel_loop3A_340 : vector<16xf32>
        %parallel_loop3A_345 = arith.addf %parallel_loop3A_343, %parallel_loop3A_344 : vector<16xf32>
        %parallel_loop3A_346 = arith.index_cast %parallel_loop3A_325 : i32 to index
        %parallel_loop3A_347 = tpu.vector_load %arg5[%parallel_loop3A_346] {strides = array<i32>} : memref<25024xf32, #tpu.memory_space<vmem>>, vector<16xf32>,
        %parallel_loop3A_348 = arith.minimumf %parallel_loop3A_347, %parallel_loop3A_345 : vector<16xf32>
        %parallel_loop3A_349 = arith.index_cast %parallel_loop3A_325 : i32 to index
        %parallel_loop3A_350 = tpu.vector_load %arg5[%parallel_loop3A_349] {strides = array<i32>} : memref<25024xf32, #tpu.memory_space<vmem>>, vector<16xf32>,
        tpu.vector_store %arg5[%parallel_loop3A_349], %parallel_loop3A_348 {strides = array<i32>} : memref<25024xf32, #tpu.memory_space<vmem>>, vector<16xf32>,
        %parallel_loop3A_351 = arith.cmpf ogt, %parallel_loop3A_348, %parallel_loop3A_322 : vector<16xf32>
        %parallel_loop3A_352 = arith.select %parallel_loop3A_351, %parallel_loop3A_348, %parallel_loop3A_322 : vector<16xi1>, vector<16xf32>
        %parallel_loop3A_353 = vector.broadcast %parallel_loop3A_325 : i32 to vector<16xi32>
        %parallel_loop3A_354 = arith.addi %parallel_loop3A_353, %iota3A : vector<16xi32>
        %parallel_loop3A_355 = arith.select %parallel_loop3A_351, %parallel_loop3A_354, %parallel_loop3A_323 : vector<16xi1>, vector<16xi32>
        %parallel_loop3A_356 = arith.constant 16 : i32
        %parallel_loop3A_357 = arith.addi %parallel_loop3A_321, %parallel_loop3A_356 : i32
        %parallel_loop3A_358 = arith.constant 0 : i32
        %parallel_loop3A_359 = arith.index_cast %parallel_loop3A_358 : i32 to index
        %parallel_loop3A_360 = arith.index_cast %parallel_loop3A_357 : i32 to index
        %parallel_loop3A_361 = tpu.vector_load %arg4[%parallel_loop3A_359, %parallel_loop3A_360] {strides = array<i32>} : memref<3x25024xf32, #tpu.memory_space<vmem>>, vector<16xf32>,
        %parallel_loop3A_362 = arith.constant 1 : i32
        %parallel_loop3A_363 = arith.index_cast %parallel_loop3A_362 : i32 to index
        %parallel_loop3A_364 = arith.index_cast %parallel_loop3A_357 : i32 to index
        %parallel_loop3A_365 = tpu.vector_load %arg4[%parallel_loop3A_363, %parallel_loop3A_364] {strides = array<i32>} : memref<3x25024xf32, #tpu.memory_space<vmem>>, vector<16xf32>,
        %parallel_loop3A_366 = arith.constant 2 : i32
        %parallel_loop3A_367 = arith.index_cast %parallel_loop3A_366 : i32 to index
        %parallel_loop3A_368 = arith.index_cast %parallel_loop3A_357 : i32 to index
        %parallel_loop3A_369 = tpu.vector_load %arg4[%parallel_loop3A_367, %parallel_loop3A_368] {strides = array<i32>} : memref<3x25024xf32, #tpu.memory_space<vmem>>, vector<16xf32>,
        %parallel_loop3A_370 = arith.subf %parallel_loop3A_361, %broadcast_in_dim3A_208 : vector<16xf32>
        %parallel_loop3A_371 = arith.subf %parallel_loop3A_365, %broadcast_in_dim3A_209 : vector<16xf32>
        %parallel_loop3A_372 = arith.subf %parallel_loop3A_369, %broadcast_in_dim3A_210 : vector<16xf32>
        %parallel_loop3A_373 = arith.mulf %parallel_loop3A_370, %parallel_loop3A_370 : vector<16xf32>
        %parallel_loop3A_374 = arith.mulf %parallel_loop3A_371, %parallel_loop3A_371 : vector<16xf32>
        %parallel_loop3A_375 = arith.addf %parallel_loop3A_373, %parallel_loop3A_374 : vector<16xf32>
        %parallel_loop3A_376 = arith.mulf %parallel_loop3A_372, %parallel_loop3A_372 : vector<16xf32>
        %parallel_loop3A_377 = arith.addf %parallel_loop3A_375, %parallel_loop3A_376 : vector<16xf32>
        %parallel_loop3A_378 = arith.index_cast %parallel_loop3A_357 : i32 to index
        %parallel_loop3A_379 = tpu.vector_load %arg5[%parallel_loop3A_378] {strides = array<i32>} : memref<25024xf32, #tpu.memory_space<vmem>>, vector<16xf32>,
        %parallel_loop3A_380 = arith.minimumf %parallel_loop3A_379, %parallel_loop3A_377 : vector<16xf32>
        %parallel_loop3A_381 = arith.index_cast %parallel_loop3A_357 : i32 to index
        %parallel_loop3A_382 = tpu.vector_load %arg5[%parallel_loop3A_381] {strides = array<i32>} : memref<25024xf32, #tpu.memory_space<vmem>>, vector<16xf32>,
        tpu.vector_store %arg5[%parallel_loop3A_381], %parallel_loop3A_380 {strides = array<i32>} : memref<25024xf32, #tpu.memory_space<vmem>>, vector<16xf32>,
        %parallel_loop3A_383 = arith.cmpf ogt, %parallel_loop3A_380, %parallel_loop3A_352 : vector<16xf32>
        %parallel_loop3A_384 = arith.select %parallel_loop3A_383, %parallel_loop3A_380, %parallel_loop3A_352 : vector<16xi1>, vector<16xf32>
        %parallel_loop3A_385 = vector.broadcast %parallel_loop3A_357 : i32 to vector<16xi32>
        %parallel_loop3A_386 = arith.addi %parallel_loop3A_385, %iota3A : vector<16xi32>
        %parallel_loop3A_387 = arith.select %parallel_loop3A_383, %parallel_loop3A_386, %parallel_loop3A_355 : vector<16xi1>, vector<16xi32>
        scf.yield %parallel_loop3A_384, %parallel_loop3A_387 : vector<16xf32>, vector<16xi32>
      } {sc.loop_unroll_factor = 4 : i64, sc.parallel_access}
      %reduce_max3A = arith.constant true
      %reduce_max3A_217 = vector.broadcast %reduce_max3A : i1 to vector<16xi1>
      %reduce_max3A_218 = tpu.scan <max>, %parallel_loop3A_216#0 masked %reduce_max3A_217 : vector<16xf32>, vector<16xi1> -> vector<16xf32>
      %reduce_max3A_219 = vector.extract %reduce_max3A_218[15] : f32 from vector<16xf32>
      %broadcast_in_dim3A_220 = vector.broadcast %reduce_max3A_219 : f32 to vector<16xf32>
      %eq3A_221 = arith.cmpf oeq, %parallel_loop3A_216#0, %broadcast_in_dim3A_220 : vector<16xf32>
      %all_reduce_ffs3A = tpu.all_reduce %eq3A_221 {dim = 0 : i64, kind = #tpu.reduction_kind<find_first_set>} : vector<16xi1> -> vector<16xi32>
      %swap3A_222 = arith.constant 0 : index
      %swap3A_223 = tpu.vector_load %arg8[%swap3A_222] {strides = array<i32>} : memref<16xi32, #tpu.memory_space<vmem>>, vector<16xi32>,
      tpu.vector_store %arg8[%swap3A_222], %parallel_loop3A_216#1 {strides = array<i32>} : memref<16xi32, #tpu.memory_space<vmem>>, vector<16xi32>,
      %gather3A_224 = tpu.vector_load_idx %arg8[%all_reduce_ffs3A] : memref<16xi32, #tpu.memory_space<vmem>>[vector<16xi32>], vector<16xi32>,
      %gather3A_225 = tpu.vector_load_idx %arg4[%min3A_86, %gather3A_224] : memref<3x25024xf32, #tpu.memory_space<vmem>>[vector<16xi32>, vector<16xi32>], vector<16xf32>,
      %add3A_226 = vector.broadcast %mul3A_56 : i32 to vector<16xi32>
      %add3A_227 = arith.addi %gather3A_224, %add3A_226 : vector<16xi32>
      %eq3A_228 = arith.constant 0 : i32
      %eq3A_229 = vector.broadcast %eq3A_228 : i32 to vector<16xi32>
      %eq3A_230 = arith.cmpi eq, %iota3A, %eq3A_229 : vector<16xi32>
      %broadcast_in_dim3A_231 = vector.broadcast %reduce_max3A_219 : f32 to vector<16xf32>
      %select_n3A_232 = arith.select %eq3A_230, %broadcast_in_dim3A_231, %gather3A_225 : vector<16xi1>, vector<16xf32>
      %eq3A_233 = arith.constant 4 : i32
      %eq3A_234 = vector.broadcast %eq3A_233 : i32 to vector<16xi32>
      %eq3A_235 = arith.cmpi eq, %iota3A, %eq3A_234 : vector<16xi32>
      %bitcast3A_236 = vector.bitcast %add3A_227 : vector<16xi32> to vector<16xf32>
      %select_n3A_237 = arith.select %eq3A_235, %bitcast3A_236, %select_n3A_232 : vector<16xi1>, vector<16xf32>
      %swap3A_238 = arith.constant 0 : index
      %swap3A_239 = tpu.vector_load %arg7[%swap3A_238] {strides = array<i32>} : memref<16xf32, #tpu.memory_space<vmem>>, vector<16xf32>,
      tpu.vector_store %arg7[%swap3A_238], %select_n3A_237 {strides = array<i32>} : memref<16xf32, #tpu.memory_space<vmem>>, vector<16xf32>,
      "tpu.region"() ({
        %run_scoped3A_321 = tpu.sem_alloc : memref<!tpu.dma_semaphore, #tpu.memory_space<semaphore_mem>>
        %dma_start3A = arith.constant 0 : i32
        %dma_start3A_322 = tpu.memref_slice %arg10[%arg1, %dma_start3A] : memref<16x16xf32, #tpu.memory_space<vmem_shared>> -> memref<1x16xf32, #tpu.memory_space<vmem_shared>>
        %dma_start3A_323 = tpu.memref_squeeze %dma_start3A_322 : memref<1x16xf32, #tpu.memory_space<vmem_shared>> -> memref<16xf32, #tpu.memory_space<vmem_shared>>
        %dma_start3A_324 = arith.constant 0 : i32
        %dma_start3A_325 = tpu.memref_slice %arg10[%arg1, %dma_start3A_324] : memref<16x16xf32, #tpu.memory_space<vmem_shared>> -> memref<1x16xf32, #tpu.memory_space<vmem_shared>>
        %dma_start3A_326 = tpu.memref_squeeze %dma_start3A_325 : memref<1x16xf32, #tpu.memory_space<vmem_shared>> -> memref<16xf32, #tpu.memory_space<vmem_shared>>
        tpu.enqueue_dma source(%arg7 : memref<16xf32, #tpu.memory_space<vmem>>) target(%dma_start3A_326 : memref<16xf32, #tpu.memory_space<vmem_shared>>) target_semaphore(%run_scoped3A_321 : memref<!tpu.dma_semaphore, #tpu.memory_space<semaphore_mem>>)
        %dma_wait3A = arith.constant 0 : i32
        %dma_wait3A_327 = tpu.memref_slice %arg10[%arg1, %dma_wait3A] : memref<16x16xf32, #tpu.memory_space<vmem_shared>> -> memref<1x16xf32, #tpu.memory_space<vmem_shared>>
        %dma_wait3A_328 = tpu.memref_squeeze %dma_wait3A_327 : memref<1x16xf32, #tpu.memory_space<vmem_shared>> -> memref<16xf32, #tpu.memory_space<vmem_shared>>
        %dma_wait3A_329 = arith.constant 0 : i32
        %dma_wait3A_330 = tpu.memref_slice %arg10[%arg1, %dma_wait3A_329] : memref<16x16xf32, #tpu.memory_space<vmem_shared>> -> memref<1x16xf32, #tpu.memory_space<vmem_shared>>
        %dma_wait3A_331 = tpu.memref_squeeze %dma_wait3A_330 : memref<1x16xf32, #tpu.memory_space<vmem_shared>> -> memref<16xf32, #tpu.memory_space<vmem_shared>>
        tpu.wait_dma2 semaphore(%run_scoped3A_321 : memref<!tpu.dma_semaphore, #tpu.memory_space<semaphore_mem>>) src(%arg7 : memref<16xf32, #tpu.memory_space<vmem>>) dst(%dma_wait3A_331 : memref<16xf32, #tpu.memory_space<vmem_shared>>)
        tpu.yield
      }) : () -> ()
      %barrier3A_240 = arith.constant 0 : index
      tpu.barrier barrier_id(%barrier3A_240)
      %mul3A_241 = arith.constant 4 : i32
      %mul3A_242 = arith.muli %select_n3A_40, %mul3A_241 : i32
      "tpu.region"() ({
        %run_scoped3A_321 = tpu.sem_alloc : memref<!tpu.dma_semaphore, #tpu.memory_space<semaphore_mem>>
        %dma_start3A = arith.constant 0 : i32
        %dma_start3A_322 = tpu.memref_slice %arg10[%mul3A_242, %dma_start3A] : memref<16x16xf32, #tpu.memory_space<vmem_shared>> -> memref<4x16xf32, #tpu.memory_space<vmem_shared>>
        %dma_start3A_323 = arith.constant 0 : i32
        %dma_start3A_324 = tpu.memref_slice %arg10[%mul3A_242, %dma_start3A_323] : memref<16x16xf32, #tpu.memory_space<vmem_shared>> -> memref<4x16xf32, #tpu.memory_space<vmem_shared>>
        tpu.enqueue_dma source(%dma_start3A_324 : memref<4x16xf32, #tpu.memory_space<vmem_shared>>) target(%arg9 : memref<4x16xf32, #tpu.memory_space<vmem>>) target_semaphore(%run_scoped3A_321 : memref<!tpu.dma_semaphore, #tpu.memory_space<semaphore_mem>>)
        %dma_wait3A = arith.constant 0 : i32
        %dma_wait3A_325 = tpu.memref_slice %arg10[%mul3A_242, %dma_wait3A] : memref<16x16xf32, #tpu.memory_space<vmem_shared>> -> memref<4x16xf32, #tpu.memory_space<vmem_shared>>
        %dma_wait3A_326 = arith.constant 0 : i32
        %dma_wait3A_327 = tpu.memref_slice %arg10[%mul3A_242, %dma_wait3A_326] : memref<16x16xf32, #tpu.memory_space<vmem_shared>> -> memref<4x16xf32, #tpu.memory_space<vmem_shared>>
        tpu.wait_dma2 semaphore(%run_scoped3A_321 : memref<!tpu.dma_semaphore, #tpu.memory_space<semaphore_mem>>) src(%dma_wait3A_327 : memref<4x16xf32, #tpu.memory_space<vmem_shared>>) dst(%arg9 : memref<4x16xf32, #tpu.memory_space<vmem>>)
        tpu.yield
      }) : () -> ()
      %get3A_243 = arith.constant 0 : i32
      %get3A_244 = arith.index_cast %get3A_243 : i32 to index
      %get3A_245 = arith.constant 0 : index
      %get3A_246 = tpu.vector_load %arg9[%get3A_244, %get3A_245] {strides = array<i32>} : memref<4x16xf32, #tpu.memory_space<vmem>>, vector<16xf32>,
      %bitcast3A_247 = vector.bitcast %get3A_246 : vector<16xf32> to vector<16xi32>
      %slice3A_248 = vector.extract_strided_slice %get3A_246 {offsets = [0], sizes = [1], strides = [1]} : vector<16xf32> to vector<1xf32>
      %squeeze3A_249 = vector.extract %slice3A_248[0] : f32 from vector<1xf32>
      %slice3A_250 = vector.extract_strided_slice %bitcast3A_247 {offsets = [4], sizes = [1], strides = [1]} : vector<16xi32> to vector<1xi32>
      %squeeze3A_251 = vector.extract %slice3A_250[0] : i32 from vector<1xi32>
      %slice3A_252 = vector.extract_strided_slice %get3A_246 {offsets = [1], sizes = [1], strides = [1]} : vector<16xf32> to vector<1xf32>
      %squeeze3A_253 = vector.extract %slice3A_252[0] : f32 from vector<1xf32>
      %slice3A_254 = vector.extract_strided_slice %get3A_246 {offsets = [2], sizes = [1], strides = [1]} : vector<16xf32> to vector<1xf32>
      %squeeze3A_255 = vector.extract %slice3A_254[0] : f32 from vector<1xf32>
      %slice3A_256 = vector.extract_strided_slice %get3A_246 {offsets = [3], sizes = [1], strides = [1]} : vector<16xf32> to vector<1xf32>
      %squeeze3A_257 = vector.extract %slice3A_256[0] : f32 from vector<1xf32>
      %get3A_258 = arith.constant 1 : i32
      %get3A_259 = arith.index_cast %get3A_258 : i32 to index
      %get3A_260 = arith.constant 0 : index
      %get3A_261 = tpu.vector_load %arg9[%get3A_259, %get3A_260] {strides = array<i32>} : memref<4x16xf32, #tpu.memory_space<vmem>>, vector<16xf32>,
      %bitcast3A_262 = vector.bitcast %get3A_261 : vector<16xf32> to vector<16xi32>
      %slice3A_263 = vector.extract_strided_slice %get3A_261 {offsets = [0], sizes = [1], strides = [1]} : vector<16xf32> to vector<1xf32>
      %squeeze3A_264 = vector.extract %slice3A_263[0] : f32 from vector<1xf32>
      %gt3A_265 = arith.cmpf ogt, %squeeze3A_264, %squeeze3A_249 : f32
      %select_n3A_266 = arith.select %gt3A_265, %squeeze3A_264, %squeeze3A_249 : f32
      %slice3A_267 = vector.extract_strided_slice %bitcast3A_262 {offsets = [4], sizes = [1], strides = [1]} : vector<16xi32> to vector<1xi32>
      %squeeze3A_268 = vector.extract %slice3A_267[0] : i32 from vector<1xi32>
      %select_n3A_269 = arith.select %gt3A_265, %squeeze3A_268, %squeeze3A_251 : i32
      %slice3A_270 = vector.extract_strided_slice %get3A_261 {offsets = [1], sizes = [1], strides = [1]} : vector<16xf32> to vector<1xf32>
      %squeeze3A_271 = vector.extract %slice3A_270[0] : f32 from vector<1xf32>
      %select_n3A_272 = arith.select %gt3A_265, %squeeze3A_271, %squeeze3A_253 : f32
      %slice3A_273 = vector.extract_strided_slice %get3A_261 {offsets = [2], sizes = [1], strides = [1]} : vector<16xf32> to vector<1xf32>
      %squeeze3A_274 = vector.extract %slice3A_273[0] : f32 from vector<1xf32>
      %select_n3A_275 = arith.select %gt3A_265, %squeeze3A_274, %squeeze3A_255 : f32
      %slice3A_276 = vector.extract_strided_slice %get3A_261 {offsets = [3], sizes = [1], strides = [1]} : vector<16xf32> to vector<1xf32>
      %squeeze3A_277 = vector.extract %slice3A_276[0] : f32 from vector<1xf32>
      %select_n3A_278 = arith.select %gt3A_265, %squeeze3A_277, %squeeze3A_257 : f32
      %get3A_279 = arith.constant 2 : i32
      %get3A_280 = arith.index_cast %get3A_279 : i32 to index
      %get3A_281 = arith.constant 0 : index
      %get3A_282 = tpu.vector_load %arg9[%get3A_280, %get3A_281] {strides = array<i32>} : memref<4x16xf32, #tpu.memory_space<vmem>>, vector<16xf32>,
      %bitcast3A_283 = vector.bitcast %get3A_282 : vector<16xf32> to vector<16xi32>
      %slice3A_284 = vector.extract_strided_slice %get3A_282 {offsets = [0], sizes = [1], strides = [1]} : vector<16xf32> to vector<1xf32>
      %squeeze3A_285 = vector.extract %slice3A_284[0] : f32 from vector<1xf32>
      %gt3A_286 = arith.cmpf ogt, %squeeze3A_285, %select_n3A_266 : f32
      %select_n3A_287 = arith.select %gt3A_286, %squeeze3A_285, %select_n3A_266 : f32
      %slice3A_288 = vector.extract_strided_slice %bitcast3A_283 {offsets = [4], sizes = [1], strides = [1]} : vector<16xi32> to vector<1xi32>
      %squeeze3A_289 = vector.extract %slice3A_288[0] : i32 from vector<1xi32>
      %select_n3A_290 = arith.select %gt3A_286, %squeeze3A_289, %select_n3A_269 : i32
      %slice3A_291 = vector.extract_strided_slice %get3A_282 {offsets = [1], sizes = [1], strides = [1]} : vector<16xf32> to vector<1xf32>
      %squeeze3A_292 = vector.extract %slice3A_291[0] : f32 from vector<1xf32>
      %select_n3A_293 = arith.select %gt3A_286, %squeeze3A_292, %select_n3A_272 : f32
      %slice3A_294 = vector.extract_strided_slice %get3A_282 {offsets = [2], sizes = [1], strides = [1]} : vector<16xf32> to vector<1xf32>
      %squeeze3A_295 = vector.extract %slice3A_294[0] : f32 from vector<1xf32>
      %select_n3A_296 = arith.select %gt3A_286, %squeeze3A_295, %select_n3A_275 : f32
      %slice3A_297 = vector.extract_strided_slice %get3A_282 {offsets = [3], sizes = [1], strides = [1]} : vector<16xf32> to vector<1xf32>
      %squeeze3A_298 = vector.extract %slice3A_297[0] : f32 from vector<1xf32>
      %select_n3A_299 = arith.select %gt3A_286, %squeeze3A_298, %select_n3A_278 : f32
      %get3A_300 = arith.constant 3 : i32
      %get3A_301 = arith.index_cast %get3A_300 : i32 to index
      %get3A_302 = arith.constant 0 : index
      %get3A_303 = tpu.vector_load %arg9[%get3A_301, %get3A_302] {strides = array<i32>} : memref<4x16xf32, #tpu.memory_space<vmem>>, vector<16xf32>,
      %bitcast3A_304 = vector.bitcast %get3A_303 : vector<16xf32> to vector<16xi32>
      %slice3A_305 = vector.extract_strided_slice %get3A_303 {offsets = [0], sizes = [1], strides = [1]} : vector<16xf32> to vector<1xf32>
      %squeeze3A_306 = vector.extract %slice3A_305[0] : f32 from vector<1xf32>
      %gt3A_307 = arith.cmpf ogt, %squeeze3A_306, %select_n3A_287 : f32
      %select_n3A_308 = arith.select %gt3A_307, %squeeze3A_306, %select_n3A_287 : f32
      %slice3A_309 = vector.extract_strided_slice %bitcast3A_304 {offsets = [4], sizes = [1], strides = [1]} : vector<16xi32> to vector<1xi32>
      %squeeze3A_310 = vector.extract %slice3A_309[0] : i32 from vector<1xi32>
      %select_n3A_311 = arith.select %gt3A_307, %squeeze3A_310, %select_n3A_290 : i32
      %slice3A_312 = vector.extract_strided_slice %get3A_303 {offsets = [1], sizes = [1], strides = [1]} : vector<16xf32> to vector<1xf32>
      %squeeze3A_313 = vector.extract %slice3A_312[0] : f32 from vector<1xf32>
      %select_n3A_314 = arith.select %gt3A_307, %squeeze3A_313, %select_n3A_293 : f32
      %slice3A_315 = vector.extract_strided_slice %get3A_303 {offsets = [2], sizes = [1], strides = [1]} : vector<16xf32> to vector<1xf32>
      %squeeze3A_316 = vector.extract %slice3A_315[0] : f32 from vector<1xf32>
      %select_n3A_317 = arith.select %gt3A_307, %squeeze3A_316, %select_n3A_296 : f32
      %slice3A_318 = vector.extract_strided_slice %get3A_303 {offsets = [3], sizes = [1], strides = [1]} : vector<16xf32> to vector<1xf32>
      %squeeze3A_319 = vector.extract %slice3A_318[0] : f32 from vector<1xf32>
      %select_n3A_320 = arith.select %gt3A_307, %squeeze3A_319, %select_n3A_299 : f32
      scf.yield %select_n3A_311, %select_n3A_314, %select_n3A_317, %select_n3A_320 : i32, f32, f32, f32
    }
    %scan3A_184 = arith.constant 128 : i32
    %mul3A_185 = arith.constant 128 : i32
    %mul3A_186 = arith.muli %add3A, %mul3A_185 : i32
    "tpu.region"() ({
      %run_scoped3A_187 = tpu.sem_alloc : memref<!tpu.dma_semaphore, #tpu.memory_space<semaphore_mem>>
      %dma_start3A = tpu.memref_slice %arg3[%mul3A_186] : memref<1024xi32, #tpu.memory_space<hbm>> -> memref<128xi32, #tpu.memory_space<hbm>>
      %dma_start3A_188 = tpu.memref_slice %arg3[%mul3A_186] : memref<1024xi32, #tpu.memory_space<hbm>> -> memref<128xi32, #tpu.memory_space<hbm>>
      tpu.enqueue_dma source(%arg6 : memref<128xi32, #tpu.memory_space<vmem>>) target(%dma_start3A_188 : memref<128xi32, #tpu.memory_space<hbm>>) target_semaphore(%run_scoped3A_187 : memref<!tpu.dma_semaphore, #tpu.memory_space<semaphore_mem>>)
      %dma_wait3A = tpu.memref_slice %arg3[%mul3A_186] : memref<1024xi32, #tpu.memory_space<hbm>> -> memref<128xi32, #tpu.memory_space<hbm>>
      %dma_wait3A_189 = tpu.memref_slice %arg3[%mul3A_186] : memref<1024xi32, #tpu.memory_space<hbm>> -> memref<128xi32, #tpu.memory_space<hbm>>
      tpu.wait_dma2 semaphore(%run_scoped3A_187 : memref<!tpu.dma_semaphore, #tpu.memory_space<semaphore_mem>>) src(%arg6 : memref<128xi32, #tpu.memory_space<vmem>>) dst(%dma_wait3A_189 : memref<128xi32, #tpu.memory_space<hbm>>)
      tpu.yield
    }) : () -> ()
    return
  }
}

</mosaic_0001>

<sc_bundles>
// kernel: kernel.3.cloned.1.call-start
scs
__scs_entry_jumppad:
0x0: {  	(pc) =	sbr.rel $0x88, $3  }
0x1: {  	(tag) =	ssettag $0x0;
	lr =	simm.s32 $0x1  }
0x2: {  	[smem:$0x3FA0] =	sst lr;
	_ =	strace $0xD0000000  }
0x3: {  	_ = 	snop  }
0x4: {  	_ = 	snop  }
0x5: {  	_ = 	snop  }
0x6: {  	_ = 	snop  }
0x7: {  	_ = 	snop  }
__scs_overlays_trampoline_lowered:
0x8: {  	[smem:$0x3FAF] =	sst s0  }
0x9: {  	[smem:$0x3FB0] =	sst s1  }
0xa: {  	[smem:$0x3FB1] =	sst s2  }
0xb: {  	[smem:$0x3FB2] =	sst s3  }
0xc: {  	[smem:$0x3FB3] =	sst s4  }
0xd: {  	[smem:$0x3FB4] =	sst s5  }
0xe: {  	[smem:$0x3FB5] =	sst s6  }
0xf: {  	[smem:$0x3FB6] =	sst s7  }
0x10: {  	[smem:$0x3FB7] =	sst s8  }
0x11: {  	[smem:$0x3FB8] =	sst s9;
	s0 =	simm.s32 @!p0 $0x0  }
0x12: {  	s1 =	sld [smem:$0x3F9E];
	s0 =	simm.s32 @p0 $0x1  }
0x13: {  	[smem:$0x3FB9] =	sst s0;
	s0 =	simm.s32 @!p1 $0x0  }
0x14: {  	s2 =	sld [smem:$0x3F9D];
	s0 =	simm.s32 @p1 $0x1  }
0x15: {  	[smem:$0x3FBA] =	sst s0;
	s0 =	simm.s32 @!p2 $0x0  }
0x16: {  	s3 =	sld [smem:$0x3FDB];
	s0 =	simm.s32 @p2 $0x1  }
0x17: {  	s4 =	simm.s32 $0x1BF5;
	[smem:$0x3FBC] =	sst s0  }
0x18: {  	s0 =	sld [smem:$0x3F9F];
	_ =	swait.ge [sflag:s4], $0x0  }
0x19: {  	s7 =	sld [smem:$0x3FA0]  }
0x1a: {  	s8 =	sadd.s32 $0xFFFFE003, lr  }
0x1b: {  	s9 =	sadd.s32 $0xFFFFFEF7, lr;
	s5 =	simm.s32 $0xFFFFFFFF;
	p2 =	slt.u32 s8, $0xFFFFF086  }
0x1c: {  	p1 =	slt.u32 s9, $0xF7A;
	s5 =	simm.s32 @!p2 $0x0  }
0x1d: {  	s5 =	simm.s32 @p1 $0x1;
	p0 =	seq.s32 s7, s2  }
0x1e: {  	s7 =	smul.u32 @!p0 $0xF7A, s2;
	p2 =	seq.s32 @!p0 s5, $0x0  }
0x1f: {  	s9 =	smul.u32 $0xF7A, s1;
	s8 =	simm.s32 @!p0 $0x1BF5;
	p2 =	por !p2, p0  }
0x20: {  	[sflag:s8] =	ssyncset.s32 @!p0 $0xFFFFF086;
	s6 =	sadd.s32 @!p0 s3, s7;
	s7 =	simm.s32 @!p0 $0x108  }
0x21: {  	s3 =	sadd.s32 s3, s9;
	s6 =	sadd.s32 @!p0 $0x88, s6;
	s7 =	simm.s32 @p2 $0x1082  }
0x22: {  	[simem:s7], [sflag:s8] =	dma.local @!p0 [hbm:s6], $0xF7A  }
0x23: {  	s9 =	sor.u32 $0xD0000000, s2;
	s6 =	simm.s32 $0x108;
	_ =	swait.ge @!p0 [sflag:s8], $0x0  }
0x24: {  	s3 =	sadd.s32 $0x88, s3;
	s6 =	simm.s32 @!p1 $0x1082;
	[sflag:s4] =	ssyncset.s32 $0xFFFFF086  }
0x25: {  	[simem:s6], [sflag:s4] =	dma.local [hbm:s3], $0xF7A  }
0x26: {  	[smem:$0x3FA0] =	sst s1;
	(tag) =	ssettag s2;
	_ =	strace s9  }
0x27: {  	s1 =	sld [smem:$0x3FB0]  }
0x28: {  	s2 =	sld [smem:$0x3FB1]  }
0x29: {  	s4 =	sld [smem:$0x3FB3]  }
0x2a: {  	p0 =	seq.s32 s5, $0x0;
	s5 =	sld [smem:$0x3FB4]  }
0x2b: {  	s6 =	sld [smem:$0x3FB5]  }
0x2c: {  	s7 =	sld [smem:$0x3FB6]  }
0x2d: {  	s3 =	simm.s32 $0x108;
	s8 =	sld [smem:$0x3FB7]  }
0x2e: {  	s3 =	simm.s32 @!p0 $0x1082;
	s9 =	sld [smem:$0x3FB8]  }
0x2f: {  	lr =	sadd.s32 s0, s3;
	s0 =	sld [smem:$0x3FAF]  }
0x30: {  	s3 =	sld [smem:$0x3FB2]  }
0x31: {  	[smem:$0x3FBB] =	sst s10  }
0x32: {  	s10 =	sld [smem:$0x3FB9];
	_ =	sdelay $0x3  }
0x33: {  	p0 =	seq.s32 s10, $0x1;
	s10 =	sld [smem:$0x3FBB];
	_ =	sdelay $0x3  }
0x34: {  	[smem:$0x3FBB] =	sst s10  }
0x35: {  	s10 =	sld [smem:$0x3FBA];
	_ =	sdelay $0x3  }
0x36: {  	p1 =	seq.s32 s10, $0x1;
	s10 =	sld [smem:$0x3FBB];
	_ =	sdelay $0x3  }
0x37: {  	[smem:$0x3FBB] =	sst s10  }
0x38: {  	s10 =	sld [smem:$0x3FBC]  }
0x39: {  	_ = 	snop;
	(pc) =	sbr.ind lr, $3  }
0x3a: {  	_ = 	snop  }
0x3b: {  	_ = 	snop  }
0x3c: {  	p2 =	seq.s32 s10, $0x1;
	s10 =	sld [smem:$0x3FBB]  }
0x3d: {  	_ =	shalt  }
0x3e: {  	_ =	shalt  }
0x3f: {  	_ =	shalt  }
0x40: {  	_ =	shalt  }
0x41: {  	_ =	shalt  }
0x42: {  	_ =	shalt  }
0x43: {  	_ =	shalt  }
0x44: {  	_ =	shalt  }
0x45: {  	_ =	shalt  }
0x46: {  	_ =	shalt  }
0x47: {  	_ =	shalt  }
0x48: {  	_ =	shalt  }
0x49: {  	_ =	shalt  }
0x4a: {  	_ =	shalt  }
0x4b: {  	_ =	shalt  }
0x4c: {  	_ =	shalt  }
0x4d: {  	_ =	shalt  }
0x4e: {  	_ =	shalt  }
0x4f: {  	_ =	shalt  }
0x50: {  	_ =	shalt  }
0x51: {  	_ =	shalt  }
0x52: {  	_ =	shalt  }
0x53: {  	_ =	shalt  }
0x54: {  	_ =	shalt  }
0x55: {  	_ =	shalt  }
0x56: {  	_ =	shalt  }
0x57: {  	_ =	shalt  }
0x58: {  	_ =	shalt  }
0x59: {  	_ =	shalt  }
0x5a: {  	_ =	shalt  }
0x5b: {  	_ =	shalt  }
0x5c: {  	_ =	shalt  }
0x5d: {  	_ =	shalt  }
0x5e: {  	_ =	shalt  }
0x5f: {  	_ =	shalt  }
0x60: {  	_ =	shalt  }
0x61: {  	_ =	shalt  }
0x62: {  	_ =	shalt  }
0x63: {  	_ =	shalt  }
0x64: {  	_ =	shalt  }
0x65: {  	_ =	shalt  }
0x66: {  	_ =	shalt  }
0x67: {  	_ =	shalt  }
0x68: {  	_ =	shalt  }
0x69: {  	_ =	shalt  }
0x6a: {  	_ =	shalt  }
0x6b: {  	_ =	shalt  }
0x6c: {  	_ =	shalt  }
0x6d: {  	_ =	shalt  }
0x6e: {  	_ =	shalt  }
0x6f: {  	_ =	shalt  }
0x70: {  	_ =	shalt  }
0x71: {  	_ =	shalt  }
0x72: {  	_ =	shalt  }
0x73: {  	_ =	shalt  }
0x74: {  	_ =	shalt  }
0x75: {  	_ =	shalt  }
0x76: {  	_ =	shalt  }
0x77: {  	_ =	shalt  }
0x78: {  	_ =	shalt  }
0x79: {  	_ =	shalt  }
0x7a: {  	_ =	shalt  }
0x7b: {  	_ =	shalt  }
0x7c: {  	_ =	shalt  }
0x7d: {  	_ =	shalt  }
0x7e: {  	_ =	shalt  }
0x7f: {  	_ =	shalt  }
0x80: {  	_ =	shalt  }
0x81: {  	_ =	shalt  }
0x82: {  	_ =	shalt  }
0x83: {  	_ =	shalt  }
0x84: {  	_ =	shalt  }
0x85: {  	_ =	shalt  }
0x86: {  	_ =	shalt  }
0x87: {  	_ =	shalt  }
.Lfunc_end0:
.L_simem_size_0:
called_computation_lowered:
.L_overlay_start_0:
0x88: {  	s2 =	sld [smem:$0x3FD9]  }
0x89: {  	s3 =	sld [smem:$0x3FFE];
	_ =	sdelay $0x1  }
0x8a: {  	s1 =	srdreg.scid  }
0x8b: {  	s0 =	sand.u32 $0x1, s1  }
0x8c: {  	s17 =	sshll.u32 s0, $0xA;
	s2 =	sadd.s32 s3, s2  }
0x8d: {  	s2 =	sadd.s32 s2, s17  }
0x8e: {  	[smem:$0x3FC7] =	sst s2  }
0x8f: {  	_ = 	snop  }
0x90: {  	s2 =	sld [smem:$0x3FD0];
	(tm) =	ssettm $0x1  }
0x91: {  	s18 =	sld [smem:$0x3FFB];
	_ =	sdelay $0x3  }
0x92: {  	_ =	strace s18  }
0x93: {  	s3 =	sld [smem:$0x3FFC];
	_ =	sdelay $0x3  }
0x94: {  	_ =	strace s3  }
0x95: {  	s3 =	sld [smem:$0x3FFD];
	_ =	sdelay $0x3  }
0x96: {  	_ =	strace s3  }
0x97: {  	_ =	strace $0x8FFFFFFF  }
0x98: {  	s19 =	sld [smem:$0x3FDB];
	_ =	sdelay $0x1  }
0x99: {  	s4 =	simm.s32 $_scs_section_size  }
0x9a: {  	s5 =	simm.s32 $_size__tile_overlayer_lowered;
	s6 =	simm.s32 $_tile_overlayer_lowered  }
0x9b: {  	s22 =	simm.s32 $0x1BFF;
	s21 =	sshll.u32 s6, $0x1;
	s3 =	sadd.s32 s4, s19  }
0x9c: {  	s7 =	simm.s32 $0x0;
	s20 =	sshll.u32 s5, $0x1;
	s5 =	sadd.s32 s21, s3  }
0x9d: {  	[timem:s7], [sflag:s22] =	dma.local [hbm:s5], s20  }
0x9e: {  	_ =	swait.ge [sflag:s22], s20  }
0x9f: {  	s4 =	ssub.s32 $0x0, s20;
	[sflag:s22] =	ssyncset.done $0x0  }
0xa0: {  	[sflag:s22] =	ssyncadd.s32 s4;
	_ =	sdelay $0x1  }
0xa1: {  	s23 =	simm.s32 $0x1B8B  }
0xa2: {  	_ =	swait.ge [sflag:s23], $0x1  }
0xa3: {  	[sflag:s23] =	ssyncset.done $0x0  }
0xa4: {  	s25 =	simm.s32 $0x1B8E;
	s24 =	sld [smem:$0x3FFE];
	[sflag:s23] =	ssyncadd.s32 $0xFFFFFFFF  }
0xa5: {  	s26 =	simm.s32 $execute0_lowered;
	[smem:$0x3FD2] =	sst s25  }
0xa6: {  	s5 =	sshll.u32 s26, $0x1;
	_ =	strace $0x80000046;
	[dreg:$0x1] =	wrdreg $0xFFFFFFFF  }
0xa7: {  	s28 =	simm.s32 $_size_execute0_lowered;
	s3 =	sadd.s32 s3, s5;
	[dreg:$0x0] =	wrdreg $0x0  }
0xa8: {  	s5 =	sshll.u32 s28, $0x1;
	[dreg:$0x2] =	wrdreg s3  }
0xa9: {  	[dreg:$0x3] =	wrdreg s5  }
0xaa: {  	[dreg:$0x4] =	wrdreg $0xC0  }
0xab: {  	_ =	task [dreg:s7], $0x5FFFF  }
0xac: {  	[dreg:$0x1] =	wrdreg $0xFFFFFFFF  }
0xad: {  	[dreg:$0x0] =	wrdreg $0x60  }
0xae: {  	[dreg:$0x2] =	wrdreg s24  }
0xaf: {  	[dreg:$0x3] =	wrdreg s2  }
0xb0: {  	[dreg:$0x4] =	wrdreg $0x187E00  }
0xb1: {  	[dreg:$0x5] =	wrdreg $0x9  }
0xb2: {  	_ =	task.clear_ibuf [dreg:s7], $0x6FFFF;
	_ =	strace $0x90000046  }
0xb3: {  	s29 =	simm.s32 $0x9;
	_ =	strace $0x80000048  }
0xb4: {  	_ =	swait.ge [sflag:s29], $0x1  }
0xb5: {  	[sflag:s29] =	ssyncadd.s32 $0xFFFFFFFF  }
0xb6: {  	_ =	strace $0x90000048  }
0xb7: {  	_ =	sfence  }
0xb8: {  	s30 =	sld [smem:$0x0];
	_ =	sdelay $0x2  }
0xb9: {  	s31 =	sshll.u32 s1, $0xD;
	s1 =	sshrl.u32 s1, $0x2  }
0xba: {  	s3 =	sand.u32 $0x4000, s31;
	s1 =	sadd.s32 s1, s30  }
0xbb: {  	s0 =	sor.u32 s3, s0;
	s1 =	sshll.u32 s1, $0x11  }
0xbc: {  	s0 =	sor.u32 s1, s0  }
0xbd: {  	s0 =	sadd.s32 $0x8F2B, s0  }
0xbe: {  	[sflag:s0] =	ssyncadd.remote.s32 $0x1  }
0xbf: {  	_ =	sfence.sel $0xFFFF  }
0xc0: {  	[dreg:$0x0] =	wrdreg $0xFFFFFFFF;
	(pc) =	sbr.abs _section_cstart, $3  }
0xc1: {  	[dreg:$0x1] =	wrdreg $0xFFFFFFFF  }
0xc2: {  	_ =	task.clear_ibuf [dreg:s7], $0x2FFFF;
	_ =	strace $0x9FFFFFFF  }
0xc3: {  	(tm) =	ssettm $0x7FFFFFFF  }
tec
execute0_lowered:
.L_overlay_start_1:
0x0: {  	(tag) =	ssettag $0x1  }
0x1: {  	s1 =	srdreg.scid;
	s5 =	rddreg [dreg:$0x0]  }
0x2: {  	s0 =	stileid.u32;
	s11 =	rddreg [dreg:$0x1]  }
0x3: {  	s12 =	rddreg [dreg:$0x2];
	s15 =	simm.s32 $0x18780;
	s16 =	simm.s32 $0x187A0  }
0x4: {  	s17 =	simm.s32 $0x18700;
	s18 =	simm.s32 $0x12540;
	s19 =	simm.s32 $0x18790  }
0x5: {  	s20 =	simm.s32 $0x0;
	s4 =	sand.u32 $0x1, s1;
	s9 =	sshrl.u32 s0, $0x2  }
0x6: {  	s6 =	sand.u32 $0x3, s0;
	s8 =	sshll.u32 s0, $0x4;
	s1 =	sshll.u32 s4, $0x2  }
0x7: {  	s2 =	smul.u32 $0x61C0, s6;
	s4 =	ssub.s32 $0x2, s4;
	s10 =	sor.u32 s9, s1  }
0x8: {  	p0 =	seq.s32 s6, $0x0;
	s6 =	simm.f32 $1.000000000e+00;
	s3 =	smul.u32 $0x18700, s10  }
0x9: {  	s8 =	sadd.s32 s8, s12;
	s29 =	sshrl.u32 s4, $0x1;
	s6 =	simm.s32 @!p0 $0xFF800000  }
0xa: {  	s9 =	sshll.u32 s9, $0x6;
	s13 =	ssub.s32 s4, s29;
	s7 =	sadd.s32 s2, s3  }
0xb: {  	s10 =	sshll.u32 s10, $0x4;
	s9 =	sadd.s32 s9, s12;
	s7 =	sshrl.u32 s7, $0x3  }
0xc: {  	v2 =	vimm.s32 $0xC380;
	vm0 =	vcmask $0x700;
	v1 =	vimm.f32 $+Inf;
	s12 =	simm.s32 $0x1;
	s3 =	simm.s32 $0x0;
	s7 =	sadd.s32 s7, s5  }
0xd: {  	v3 =	vlaneseq.u32;
	vm1 =	vmmov $0x1;
	vm2 =	vmxor vm2, vm2;
	s10 =	sadd.s32 s11, s10;
	[smem:$0x7FF] =	sst s3;
	s30 =	sadd.s32 $0x400, s7  }
0xe: {  	v4 =	vimm.f32 $-1.000000000e+00;
	v2 =	vsel vm0, $0x0, v2;
	vm0 =	vcmask $0xB08;
	_ =	strace $0x80000047;
	s31 =	sadd.s32 $0x18B00, s7;
	[dreg:$0x4] =	wrdreg s30  }
0xf: {  	v2 =	vsel vm0, $0x61C0, v2;
	vm0 =	vcmask $0xF14;
	v0 =	vmov s2;
	s11 =	smax.u32 s13, $0x1;
	s7 =	sadd.s32 $0x31200, s7;
	[dreg:$0x5] =	wrdreg s31  }
.LBB2_1:
0x10: {  	s0 =	rddreg [dreg:$0x4]  }
0x11: {  	[tilespmem:s3], [sflag:$0x1] =	stream.linear.gather [hbm4b:s0+s3], $0x61C0, $0x38;
	[tilespmem:$0x187F0] =	vst v63  }
0x12: {  	_ =	swait.ge [sflag:s12], $0x61C0  }
0x13: {  	s1 =	simm.s32 $0x61C0;
	[sflag:s12] =	ssyncset.done $0x0  }
0x14: {  	s31 =	simm.s32 $0xC380;
	s30 =	rddreg [dreg:$0x5];
	[sflag:s12] =	ssyncadd.s32 $0xFFFF9E40  }
0x15: {  	[tilespmem:s1], [sflag:$0x1] =	stream.linear.gather [hbm4b:s30+s3], $0x61C0, $0x38;
	[tilespmem:$0x187F0] =	vst v63  }
0x16: {  	s22 =	simm.s32 $0x12560;
	s23 =	sadd.s32 $0xFFFFFFC0, s2;
	_ =	swait.ge [sflag:s12], $0x61C0  }
0x17: {  	s21 =	simm.s32 $0x0;
	s24 =	sadd.s32 $0x40, s23;
	[sflag:s12] =	ssyncset.done $0x0  }
0x18: {  	s25 =	sadd.s32 $0x50, s23;
	s26 =	sadd.s32 $0x60, s23;
	[sflag:s12] =	ssyncadd.s32 $0xFFFF9E40  }
0x19: {  	[tilespmem:s31], [sflag:$0x1] =	stream.linear.gather [hbm4b:s7+s3], $0x61C0, $0x38;
	[tilespmem:$0x187F0] =	vst v63  }
0x1a: {  	s23 =	sadd.s32 $0x70, s23;
	p0 =	slt.u32 s24, $0x186A0;
	_ =	swait.ge [sflag:s12], $0x61C0  }
0x1b: {  	p1 =	slt.u32 s25, $0x186A0;
	p2 =	slt.u32 s26, $0x186A0;
	[sflag:s12] =	ssyncset.done $0x0  }
0x1c: {  	v6 =	vpsel !p0, $0xFF800000, v1;
	v5 =	vpsel !p1, $0xFF800000, v1;
	p1 =	slt.u32 s23, $0x186A0;
	s23 =	simm.s32 $0x12560;
	[sflag:s12] =	ssyncadd.s32 $0xFFFF9E40  }
.LBB2_2:
0x1d: {  	s24 =	smov.u32 s21;
	s21 =	sadd.s32 $0x40, s21  }
0x1e: {  	[tilespmem:s22+$0xFFFFFFE0] =	vst v6;
	v6 =	vpsel !p2, $0xFF800000, v1;
	v7 =	vpsel !p1, $0xFF800000, v1;
	s23 =	sadd.s32 $0x40, s23;
	p0 =	slt.u32 s21, $0x6180  }
.Ltmp0:
0x1f: {  	[tilespmem:s22+$0xFFFFFFF0] =	vst v5;
	(pc) =	sbr.rel @p0 .LBB2_2-.Ltmp0, $4  }
0x20: {  	s24 =	sadd.s32 s24, s2;
	[tilespmem:s22+$0x0] =	vst v6  }
0x21: {  	s25 =	sadd.s32 $0x40, s24;
	s26 =	sadd.s32 $0x50, s24;
	s28 =	sadd.s32 $0x60, s24;
	[tilespmem:s22+$0x10] =	vst v7  }
0x22: {  	p1 =	slt.u32 s25, $0x186A0;
	p2 =	slt.u32 s26, $0x186A0;
	s22 =	sadd.s32 $0x70, s24  }
0x23: {  	v6 =	vpsel !p1, $0xFF800000, v1;
	v5 =	vpsel !p2, $0xFF800000, v1;
	p2 =	slt.u32 s28, $0x186A0;
	p1 =	slt.u32 s22, $0x186A0;
	s22 =	smov.u32 s23  }
0x24: {  	[tilespmem:s22+$0xFFFFFFE0] =	vst v6  }
0x25: {  	v6 =	vpsel !p2, $0xFF800000, v1;
	[tilespmem:s22+$0xFFFFFFF0] =	vst v5  }
0x26: {  	v5 =	vpsel !p1, $0xFF800000, v1;
	[tilespmem:s22+$0x0] =	vst v6  }
0x27: {  	s21 =	simm.s32 $0x0;
	[tilespmem:s22+$0x10] =	vst v5  }
0x28: {  	v5 =	vld.idx.msk [tilespmem:v2+s21+$0x0], $0xffff;
	_ =	sdelay $0x3  }
0x29: {  	vm3 =	veq.s32 v3, $0x0  }
0x2a: {  	v5 =	vsel vm3, s6, v5  }
0x2b: {  	v5 =	vsel vm0, v5, v0  }
0x2c: {  	[tilespmem:$0x18780] =	vst v5  }
0x2d: {  	[spmem:s8] =	stream.linear.scatter [tilespmem:s15], [sflag:$0x1], $0x10, $0x38;
	[tilespmem:$0x187F0] =	vst v63  }
0x2e: {  	_ =	swait.ge [sflag:s12], $0x10  }
0x2f: {  	[sflag:s12] =	ssyncset.done $0x0  }
0x30: {  	[sflag:s12] =	ssyncadd.s32 $0xFFFFFFF0  }
0x31: {  	[bflag:$0x0] =	sbarrier.arrive $0xFFFF  }
0x32: {  	[tilespmem:s16], [sflag:$0x1] =	stream.linear.gather [spmem:s9], $0x40, $0x38;
	[tilespmem:$0x187F0] =	vst v63  }
0x33: {  	_ =	swait.ge [sflag:s12], $0x40  }
0x34: {  	[sflag:s12] =	ssyncset.done $0x0  }
0x35: {  	[sflag:s12] =	ssyncadd.s32 $0xFFFFFFC0  }
0x36: {  	v5 =	vld [tilespmem:$0x187A0];
	_ =	sdelay $0x4  }
0x37: {  	v6 =	vld [tilespmem:$0x187B0];
	(v2sf) =	vpush v5, $0x0  }
0x38: {  	(v2sf) =	vpush v5, $0x4  }
0x39: {  	(v2sf) =	vpush v5, $0x1  }
0x3a: {  	(v2sf) =	vpush v5, $0x2  }
0x3b: {  	(v2sf) =	vpush v5, $0x3  }
0x3c: {  	v5 =	vld [tilespmem:$0x187C0];
	(v2sf) =	vpush v6, $0x0  }
0x3d: {  	(v2sf) =	vpush v6, $0x4  }
0x3e: {  	(v2sf) =	vpush v6, $0x1  }
0x3f: {  	(v2sf) =	vpush v6, $0x2  }
0x40: {  	(v2sf) =	vpush v6, $0x3  }
0x41: {  	v6 =	vld [tilespmem:$0x187D0];
	(v2sf) =	vpush v5, $0x0  }
0x42: {  	(v2sf) =	vpush v5, $0x4  }
0x43: {  	(v2sf) =	vpush v5, $0x1  }
0x44: {  	(v2sf) =	vpush v5, $0x2  }
0x45: {  	(v2sf) =	vpush v5, $0x3  }
0x46: {  	s22 =	spop (v2sf);
	(v2sf) =	vpush v6, $0x0  }
0x47: {  	s23 =	spop (v2sf);
	(v2sf) =	vpush v6, $0x4  }
0x48: {  	s24 =	spop (v2sf);
	(v2sf) =	vpush v6, $0x1  }
0x49: {  	s25 =	spop (v2sf);
	(v2sf) =	vpush v6, $0x2  }
0x4a: {  	s26 =	spop (v2sf);
	(v2sf) =	vpush v6, $0x3  }
0x4b: {  	s28 =	spop (v2sf)  }
0x4c: {  	s29 =	spop (v2sf)  }
0x4d: {  	s30 =	spop (v2sf)  }
0x4e: {  	s31 =	spop (v2sf)  }
0x4f: {  	s1 =	spop (v2sf)  }
0x50: {  	p1 =	sgt.f32 s28, s22;
	s0 =	spop (v2sf)  }
0x51: {  	s13 =	spop (v2sf)  }
0x52: {  	s22 =	smov.u32 @p1 s28;
	s14 =	spop (v2sf)  }
0x53: {  	p2 =	sgt.f32 s0, s22;
	s28 =	spop (v2sf)  }
0x54: {  	s23 =	smov.u32 @p1 s29;
	s24 =	smov.u32 @p1 s30;
	s4 =	spop (v2sf)  }
0x55: {  	s25 =	smov.u32 @p1 s31;
	s22 =	smov.u32 @p2 s0;
	s5 =	spop (v2sf)  }
0x56: {  	s26 =	smov.u32 @p1 s1;
	p0 =	sgt.f32 s5, s22;
	s0 =	spop (v2sf)  }
0x57: {  	s23 =	smov.u32 @p2 s13;
	s24 =	smov.u32 @p2 s14;
	s1 =	spop (v2sf)  }
0x58: {  	s25 =	smov.u32 @p2 s28;
	s23 =	smov.u32 @p0 s0;
	s0 =	spop (v2sf)  }
0x59: {  	s26 =	smov.u32 @p2 s4;
	s24 =	smov.u32 @p0 s1;
	s1 =	spop (v2sf)  }
0x5a: {  	s22 =	simm.s32 $0x0;
	s25 =	smov.u32 @p0 s0;
	s26 =	smov.u32 @p0 s1  }
.LBB2_4:
0x5b: {  	s0 =	ssub.s32 s23, s2  }
0x5c: {  	p1 =	sgt.s32 s0, $0x0  }
0x5d: {  	p0 =	slt.u32 s0, $0x61C0;
	s0 =	simm.s32 @!p1 $0x0  }
0x5e: {  	vm3 =	vmmov vm2;
	s0 =	smin.u32 s0, $0x61BF  }
0x5f: {  	vm3 =	vmneg @p0 vm3;
	v5 =	vmov s0  }
0x60: {  	v6 =	vmov s22;
	vm3 =	vmand vm3, vm1;
	v5 =	vbroadcast v5, $0x0;
	_ =	sdelay $0x3  }
0x61: {  	v7 =	vmov s23  }
0x62: {  	[tilespmem:v6+s17+$0x0] =	vst.idx.msk $0x1, v7  }
0x63: {  	s23 =	simm.s32 $0x0;
	[tilespmem:v5+s18+$0x0] =	vst.idx.msk vm3, v4  }
0x64: {  	v8 =	vld [tilespmem:s23+$0xC3F0]  }
0x65: {  	v9 =	vld [tilespmem:s23+$0xC3E0]  }
0x66: {  	v11 =	vld [tilespmem:s23+$0x70]  }
0x67: {  	v12 =	vld [tilespmem:s23+$0x6230]  }
0x68: {  	v13 =	vld [tilespmem:s23+$0xC3D0]  }
0x69: {  	v14 =	vld [tilespmem:s23+$0x60]  }
0x6a: {  	v19 =	vld [tilespmem:s23+$0x6220]  }
0x6b: {  	v20 =	vld [tilespmem:s23+$0xC3C0]  }
0x6c: {  	v21 =	vld [tilespmem:s23+$0x50]  }
0x6d: {  	v26 =	vld [tilespmem:s23+$0x6210]  }
0x6e: {  	v27 =	vld [tilespmem:s23+$0xC3B0]  }
0x6f: {  	v5 =	vmov s26;
	v33 =	vld [tilespmem:s23+$0x40]  }
0x70: {  	v10 =	vimm.f32 $-Inf;
	v6 =	vmov s24;
	v34 =	vld [tilespmem:s23+$0x6200];
	v15 =	vsub.f32 v9, v5  }
0x71: {  	v7 =	vmov s25;
	v25 =	vld [tilespmem:s23+$0xC3A0];
	v16 =	vsub.f32 v8, v5;
	v17 =	vsub.f32 v11, v6  }
0x72: {  	v28 =	vld [tilespmem:s23+$0x30];
	v11 =	vlaneseq.u32;
	v18 =	vsub.f32 v13, v5;
	v22 =	vsub.f32 v12, v7  }
0x73: {  	s30 =	simm.s32 $0x40;
	v29 =	vld [tilespmem:s23+$0xC390];
	v13 =	vor.u32 s21, v3;
	v23 =	vsub.f32 v14, v6;
	v19 =	vsub.f32 v19, v7  }
0x74: {  	s1 =	simm.s32 $0x30;
	v30 =	vld [tilespmem:s23+$0x20];
	v24 =	vsub.f32 v20, v5;
	v8 =	vor.u32 s30, v3;
	v20 =	vsub.f32 v21, v6  }
0x75: {  	s31 =	simm.s32 $0x20;
	s29 =	simm.s32 $0x10;
	v31 =	vld [tilespmem:s23+$0xC380];
	v21 =	vsub.f32 v27, v5;
	v9 =	vor.u32 s1, v3;
	v27 =	vsub.f32 v26, v7  }
0x76: {  	s25 =	simm.s32 $0x80;
	s24 =	simm.s32 $0x0;
	s26 =	simm.s32 $0x0;
	v32 =	vld [tilespmem:s23+$0x0];
	v12 =	vor.u32 s31, v3;
	v26 =	vsub.f32 v33, v6;
	v14 =	vsub.f32 v34, v7  }
.LBB2_5:
0x77: {  	p0 =	slt.u32 s25, $0x6100;
	v33 =	vld [tilespmem:s23+$0x61C0];
	v34 =	vor.u32 s29, v3;
	v25 =	vsub.f32 v25, v5;
	v28 =	vsub.f32 v28, v6  }
0x78: {  	v15 =	vmul.f32 v15, v15;
	v16 =	vmul.f32 v16, v16;
	v35 =	vld [tilespmem:s23+$0x10];
	v29 =	vsub.f32 v29, v5  }
0x79: {  	v17 =	vmul.f32 v17, v17;
	v22 =	vmul.f32 v22, v22;
	v36 =	vld [tilespmem:s23+$0x61D0];
	v30 =	vsub.f32 v30, v6  }
0x7a: {  	v18 =	vmul.f32 v18, v18;
	v23 =	vmul.f32 v23, v23;
	v31 =	vsub.f32 v31, v5;
	v37 =	vld [tilespmem:s23+$0x61E0]  }
0x7b: {  	v24 =	vmul.f32 v24, v24;
	v19 =	vmul.f32 v19, v19;
	v32 =	vsub.f32 v32, v6  }
0x7c: {  	v20 =	vmul.f32 v20, v20;
	v27 =	vmul.f32 v27, v27;
	v33 =	vsub.f32 v33, v7;
	v38 =	vld [tilespmem:s23+$0x61F0]  }
0x7d: {  	v21 =	vmul.f32 v21, v21;
	v26 =	vmul.f32 v26, v26;
	v35 =	vsub.f32 v35, v6  }
0x7e: {  	v32 =	vmul.f32 v32, v32;
	v33 =	vmul.f32 v33, v33;
	v36 =	vsub.f32 v36, v7  }
0x7f: {  	v25 =	vmul.f32 v25, v25;
	v31 =	vmul.f32 v31, v31;
	v39 =	vld [tilespmem:s23+$0x12540];
	v37 =	vsub.f32 v37, v7  }
0x80: {  	v32 =	vadd.f32 v33, v32;
	v33 =	vmul.f32 v35, v35;
	v35 =	vmul.f32 v36, v36;
	v36 =	vld [tilespmem:s23+$0x125B0]  }
0x81: {  	v30 =	vmul.f32 v30, v30;
	v40 =	vld [tilespmem:s23+$0x12550];
	v37 =	vmul.f32 v37, v37;
	v38 =	vsub.f32 v38, v7  }
0x82: {  	v29 =	vmul.f32 v29, v29;
	v31 =	vadd.f32 v31, v32;
	v32 =	vadd.f32 v35, v33;
	v33 =	vld [tilespmem:s23+$0x125A0]  }
0x83: {  	v28 =	vmul.f32 v28, v28;
	v30 =	vadd.f32 v37, v30;
	v35 =	vld [tilespmem:s23+$0x12560];
	v37 =	vmul.f32 v38, v38  }
0x84: {  	v14 =	vmul.f32 v14, v14;
	v31 =	vmin.f32 v39, v31;
	v29 =	vadd.f32 v29, v32;
	v32 =	vld [tilespmem:s23+$0x12590]  }
0x85: {  	s26 =	sadd.s32 $0x200, s26;
	[tilespmem:s23+$0x12540] =	vst v31;
	vm3 =	vgt.f32 v31, v10;
	v25 =	vadd.f32 v25, v30;
	v28 =	vadd.f32 v37, v28;
	v30 =	vld [tilespmem:s23+$0x12570]  }
0x86: {  	s28 =	sshra.s32 s26, $0x2;
	v10 =	vsel vm3, v31, v10;
	v11 =	vsel vm3, v13, v11;
	v13 =	vmin.f32 v40, v29;
	v29 =	vld [tilespmem:s23+$0x12580]  }
0x87: {  	v14 =	vadd.f32 v14, v26;
	v31 =	vld [tilespmem:s28+$0xC3F0];
	[tilespmem:s23+$0x12550] =	vst v13;
	vm3 =	vgt.f32 v13, v10;
	v21 =	vadd.f32 v21, v28  }
0x88: {  	v26 =	vld [tilespmem:s28+$0xC3E0];
	v10 =	vsel vm3, v13, v10;
	v11 =	vsel vm3, v34, v11;
	v13 =	vmin.f32 v35, v25  }
0x89: {  	v20 =	vadd.f32 v27, v20;
	v14 =	vadd.f32 v24, v14;
	v28 =	vld [tilespmem:s28+$0x70];
	[tilespmem:s23+$0x12560] =	vst v13;
	vm3 =	vgt.f32 v13, v10  }
0x8a: {  	v24 =	vld [tilespmem:s28+$0x6230];
	v10 =	vsel vm3, v13, v10;
	v11 =	vsel vm3, v12, v11;
	v12 =	vmin.f32 v30, v21  }
0x8b: {  	v19 =	vadd.f32 v19, v23;
	v18 =	vadd.f32 v18, v20;
	v13 =	vld [tilespmem:s28+$0xC3D0];
	[tilespmem:s23+$0x12570] =	vst v12;
	vm3 =	vgt.f32 v12, v10  }
0x8c: {  	v20 =	vld [tilespmem:s28+$0x60];
	v10 =	vsel vm3, v12, v10;
	v9 =	vsel vm3, v9, v11;
	v11 =	vmin.f32 v29, v14  }
0x8d: {  	v14 =	vadd.f32 v15, v19;
	v15 =	vadd.f32 v22, v17;
	v12 =	vld [tilespmem:s28+$0x6220];
	[tilespmem:s23+$0x12580] =	vst v11;
	vm3 =	vgt.f32 v11, v10  }
0x8e: {  	s0 =	sadd.s32 $0x50, s24;
	v21 =	vld [tilespmem:s28+$0xC3C0];
	v10 =	vsel vm3, v11, v10;
	v8 =	vsel vm3, v8, v9;
	v9 =	vmin.f32 v32, v18  }
0x8f: {  	v11 =	vor.u32 s0, v3;
	v15 =	vadd.f32 v16, v15;
	v27 =	vld [tilespmem:s28+$0x50];
	[tilespmem:s23+$0x12590] =	vst v9;
	vm3 =	vgt.f32 v9, v10  }
0x90: {  	s1 =	sadd.s32 $0x70, s24;
	s0 =	sadd.s32 $0x60, s24;
	s24 =	smov.u32 s25;
	v32 =	vld [tilespmem:s28+$0x6210];
	v9 =	vsel vm3, v9, v10;
	v8 =	vsel vm3, v11, v8;
	v10 =	vmin.f32 v33, v14  }
0x91: {  	v18 =	vor.u32 s1, v3;
	v11 =	vor.u32 s0, v3;
	v14 =	vld [tilespmem:s28+$0xC3B0];
	[tilespmem:s23+$0x125A0] =	vst v10;
	vm3 =	vgt.f32 v10, v9  }
0x92: {  	v33 =	vld [tilespmem:s28+$0x40];
	v9 =	vsel vm3, v10, v9;
	v8 =	vsel vm3, v11, v8;
	v10 =	vmin.f32 v36, v15  }
0x93: {  	v16 =	vsub.f32 v31, v5;
	v15 =	vsub.f32 v26, v5;
	v34 =	vld [tilespmem:s28+$0x6200];
	[tilespmem:s23+$0x125B0] =	vst v10;
	vm3 =	vgt.f32 v10, v9;
	s23 =	smov.u32 s28  }
0x94: {  	v17 =	vsub.f32 v28, v6;
	s28 =	simm.s32 $0x6180;
	v25 =	vld [tilespmem:s23+$0xC3A0];
	v10 =	vsel vm3, v10, v9;
	v11 =	vsel vm3, v18, v8  }
.Ltmp1:
0x95: {  	v22 =	vsub.f32 v24, v7;
	v18 =	vsub.f32 v13, v5;
	v28 =	vld [tilespmem:s23+$0x30];
	(pc) =	sbr.rel @p0 .LBB2_5-.Ltmp1, $4  }
0x96: {  	s0 =	sadd.s32 $0x40, s25;
	v23 =	vsub.f32 v20, v6;
	v19 =	vsub.f32 v12, v7;
	v13 =	vor.u32 s25, v3;
	v29 =	vld [tilespmem:s23+$0xC390]  }
0x97: {  	s1 =	sadd.s32 $0x30, s25;
	v24 =	vsub.f32 v21, v5;
	v8 =	vor.u32 s0, v3;
	v20 =	vsub.f32 v27, v6;
	v30 =	vld [tilespmem:s23+$0x20]  }
0x98: {  	s0 =	sadd.s32 $0x20, s25;
	v9 =	vor.u32 s1, v3;
	v27 =	vsub.f32 v32, v7;
	v21 =	vsub.f32 v14, v5;
	v31 =	vld [tilespmem:s23+$0xC380]  }
0x99: {  	s29 =	sadd.s32 $0x10, s24;
	s25 =	sadd.s32 $0x80, s25;
	v12 =	vor.u32 s0, v3;
	v26 =	vsub.f32 v33, v6;
	v14 =	vsub.f32 v34, v7;
	v32 =	vld [tilespmem:s23+$0x0]  }
0x9a: {  	v15 =	vmul.f32 v15, v15;
	v16 =	vmul.f32 v16, v16  }
0x9b: {  	v33 =	vld [tilespmem:s23+$0x61C0];
	v17 =	vmul.f32 v17, v17;
	v22 =	vmul.f32 v22, v22  }
0x9c: {  	v35 =	vld [tilespmem:s23+$0x10];
	v18 =	vmul.f32 v18, v18;
	v23 =	vmul.f32 v23, v23  }
0x9d: {  	v25 =	vsub.f32 v25, v5;
	v36 =	vld [tilespmem:s23+$0x61D0];
	v24 =	vmul.f32 v24, v24;
	v19 =	vmul.f32 v19, v19  }
0x9e: {  	v28 =	vsub.f32 v28, v6;
	v37 =	vld [tilespmem:s23+$0x61E0];
	v20 =	vmul.f32 v20, v20;
	v27 =	vmul.f32 v27, v27  }
0x9f: {  	v21 =	vmul.f32 v21, v21;
	v29 =	vsub.f32 v29, v5;
	v30 =	vsub.f32 v30, v6  }
0xa0: {  	v38 =	vld [tilespmem:s23+$0x61F0];
	v26 =	vmul.f32 v26, v26;
	v32 =	vsub.f32 v32, v6;
	v33 =	vsub.f32 v33, v7  }
0xa1: {  	v14 =	vmul.f32 v14, v14;
	v31 =	vsub.f32 v31, v5;
	v35 =	vsub.f32 v35, v6  }
0xa2: {  	v36 =	vsub.f32 v36, v7;
	v32 =	vmul.f32 v32, v32;
	v33 =	vmul.f32 v33, v33  }
0xa3: {  	v39 =	vld [tilespmem:s23+$0x12540];
	v25 =	vmul.f32 v25, v25;
	v31 =	vmul.f32 v31, v31;
	v37 =	vsub.f32 v37, v7  }
0xa4: {  	v50 =	vmul.f32 v35, v35;
	v51 =	vmul.f32 v36, v36;
	v32 =	vadd.f32 v33, v32  }
0xa5: {  	v52 =	vld [tilespmem:s23+$0x12550];
	v29 =	vmul.f32 v29, v29;
	v30 =	vmul.f32 v30, v30;
	v38 =	vsub.f32 v38, v7  }
0xa6: {  	v37 =	vmul.f32 v37, v37;
	v53 =	vadd.f32 v51, v50;
	v31 =	vadd.f32 v31, v32  }
0xa7: {  	v34 =	vor.u32 s29, v3;
	v54 =	vld [tilespmem:s23+$0x12560];
	v28 =	vmul.f32 v28, v28;
	v55 =	vmul.f32 v38, v38  }
0xa8: {  	v30 =	vadd.f32 v37, v30;
	v29 =	vadd.f32 v29, v53;
	v31 =	vmin.f32 v39, v31  }
0xa9: {  	v56 =	vld [tilespmem:s23+$0x12570];
	v20 =	vadd.f32 v27, v20;
	v28 =	vadd.f32 v55, v28;
	vm3 =	vgt.f32 v31, v10  }
0xaa: {  	v57 =	vld [tilespmem:s23+$0x12580];
	v25 =	vadd.f32 v25, v30;
	v29 =	vmin.f32 v52, v29;
	v10 =	vsel vm3, v31, v10  }
0xab: {  	v58 =	vld [tilespmem:s23+$0x12590];
	v14 =	vadd.f32 v14, v26;
	v11 =	vsel vm3, v13, v11;
	vm3 =	vgt.f32 v29, v10  }
0xac: {  	v21 =	vadd.f32 v21, v28;
	v25 =	vmin.f32 v54, v25;
	v10 =	vsel vm3, v29, v10  }
0xad: {  	v18 =	vadd.f32 v18, v20;
	v11 =	vsel vm3, v34, v11;
	vm3 =	vgt.f32 v25, v10  }
0xae: {  	v14 =	vadd.f32 v24, v14;
	v21 =	vmin.f32 v56, v21;
	v10 =	vsel vm3, v25, v10  }
0xaf: {  	v59 =	vld [tilespmem:s23+$0x125A0];
	v60 =	vadd.f32 v19, v23;
	v11 =	vsel vm3, v12, v11;
	vm3 =	vgt.f32 v21, v10  }
0xb0: {  	v63 =	vmin.f32 v58, v18;
	v13 =	vmin.f32 v57, v14;
	v10 =	vsel vm3, v21, v10  }
0xb1: {  	v61 =	vld [tilespmem:s23+$0x125B0];
	v62 =	vadd.f32 v22, v17;
	[tilespmem:s23+$0x12590] =	vst v63;
	v9 =	vsel vm3, v9, v11;
	vm3 =	vgt.f32 v13, v10  }
0xb2: {  	[tilespmem:s23+$0x12540] =	vst v31;
	v11 =	vadd.f32 v15, v60;
	v10 =	vsel vm3, v13, v10  }
0xb3: {  	s0 =	sadd.s32 $0x50, s24;
	[tilespmem:s23+$0x12550] =	vst v29;
	v12 =	vadd.f32 v16, v62;
	v8 =	vsel vm3, v8, v9;
	vm3 =	vgt.f32 v63, v10  }
0xb4: {  	[tilespmem:s23+$0x12560] =	vst v25;
	v9 =	vor.u32 s0, v3;
	v11 =	vmin.f32 v59, v11;
	v10 =	vsel vm3, v63, v10  }
0xb5: {  	s31 =	sadd.s32 $0x60, s24;
	[tilespmem:s23+$0x12570] =	vst v21;
	v8 =	vsel vm3, v9, v8;
	vm3 =	vgt.f32 v11, v10  }
0xb6: {  	s1 =	sadd.s32 $0x70, s24;
	[tilespmem:s23+$0x12580] =	vst v13;
	v12 =	vmin.f32 v61, v12;
	v9 =	vor.u32 s31, v3;
	v10 =	vsel vm3, v11, v10  }
0xb7: {  	[tilespmem:s23+$0x125A0] =	vst v11;
	v11 =	vor.u32 s1, v3;
	v8 =	vsel vm3, v9, v8;
	vm3 =	vgt.f32 v12, v10  }
0xb8: {  	[tilespmem:s23+$0x125B0] =	vst v12;
	s23 =	simm.s32 $0x0;
	v9 =	vsel vm3, v12, v10;
	v8 =	vsel vm3, v11, v8  }
.LBB2_7:
0xb9: {  	s0 =	sshra.s32 s23, $0x2  }
0xba: {  	v10 =	vld [tilespmem:s0+$0x6180]  }
0xbb: {  	v11 =	vld [tilespmem:s0+$0xC340]  }
0xbc: {  	v12 =	vld [tilespmem:s0+$0x12500]  }
0xbd: {  	v13 =	vld [tilespmem:s0+$0x6190]  }
0xbe: {  	v14 =	vld [tilespmem:s0+$0xC350]  }
0xbf: {  	v15 =	vld [tilespmem:s0+$0x12510];
	_ =	sdelay $0x1  }
0xc0: {  	v10 =	vsub.f32 v10, v6;
	v11 =	vsub.f32 v11, v7  }
0xc1: {  	v12 =	vsub.f32 v12, v5;
	v13 =	vsub.f32 v13, v6  }
0xc2: {  	v14 =	vsub.f32 v14, v7;
	v10 =	vmul.f32 v10, v10;
	v11 =	vmul.f32 v11, v11  }
0xc3: {  	v60 =	vld [tilespmem:s0+$0x186C0];
	v15 =	vsub.f32 v15, v5;
	v13 =	vmul.f32 v13, v13  }
0xc4: {  	v14 =	vmul.f32 v14, v14;
	v10 =	vadd.f32 v11, v10;
	v11 =	vmul.f32 v12, v12  }
0xc5: {  	v16 =	vld [tilespmem:s0+$0x186D0]  }
0xc6: {  	v61 =	vmul.f32 v15, v15;
	v10 =	vadd.f32 v11, v10;
	v11 =	vadd.f32 v14, v13  }
0xc7: {  	p0 =	slt.u32 s28, $0x61A0  }
.Ltmp2:
0xc8: {  	v10 =	vmin.f32 v60, v10;
	v11 =	vadd.f32 v61, v11;
	(pc) =	sbr.rel @p0 .LBB2_7-.Ltmp2, $4  }
0xc9: {  	vm3 =	vgt.f32 v10, v9  }
0xca: {  	v62 =	vor.u32 s28, v3;
	s1 =	sadd.s32 $0x10, s28;
	v9 =	vsel vm3, v10, v9;
	v11 =	vmin.f32 v16, v11  }
0xcb: {  	v63 =	vor.u32 s1, v3;
	[tilespmem:s0+$0x186C0] =	vst v10;
	v8 =	vsel vm3, v62, v8;
	vm3 =	vgt.f32 v11, v9  }
0xcc: {  	s23 =	sadd.s32 $0x80, s23;
	s28 =	sadd.s32 $0x20, s28;
	[tilespmem:s0+$0x186D0] =	vst v11;
	v9 =	vsel vm3, v11, v9;
	v8 =	vsel vm3, v63, v8  }
0xcd: {  	(xrf0) =	vmax.scan.msk.f32 $0xffff, v9;
	_ =	sdelay $0x5  }
0xce: {  	v5, _, _ =	vpop (xrf0)  }
0xcf: {  	v5 =	vbroadcast v5, $0xF;
	_ =	sdelay $0x1  }
0xd0: {  	vm3 =	veq.f32 v9, v5  }
0xd1: {  	v6 =	vmctz.xlane vm3;
	_ =	sdelay $0x4  }
0xd2: {  	[tilespmem:$0x18790] =	vst v8  }
0xd3: {  	v6 =	vld.idx.msk [tilespmem:v6+s19+$0x0], $0xffff;
	_ =	sdelay $0x4  }
0xd4: {  	v7 =	vadd.s32 v2, v6;
	_ =	sdelay $0x4  }
0xd5: {  	v7 =	vld.idx.msk [tilespmem:v7+s3+$0x0], $0xffff;
	_ =	sdelay $0x4  }
0xd6: {  	v6 =	vadd.s32 v0, v6;
	v5 =	vsel vm1, v5, v7  }
0xd7: {  	v5 =	vsel vm0, v5, v6  }
0xd8: {  	[tilespmem:$0x18780] =	vst v5  }
0xd9: {  	[spmem:s8] =	stream.linear.scatter [tilespmem:s15], [sflag:$0x1], $0x10, $0x38;
	[tilespmem:$0x187F0] =	vst v63  }
0xda: {  	_ =	swait.ge [sflag:s12], $0x10  }
0xdb: {  	[sflag:s12] =	ssyncset.done $0x0  }
0xdc: {  	[sflag:s12] =	ssyncadd.s32 $0xFFFFFFF0  }
0xdd: {  	[bflag:$0x0] =	sbarrier.arrive $0xFFFF  }
0xde: {  	[tilespmem:s16], [sflag:$0x1] =	stream.linear.gather [spmem:s9], $0x40, $0x38;
	[tilespmem:$0x187F0] =	vst v63  }
0xdf: {  	_ =	swait.ge [sflag:s12], $0x40  }
0xe0: {  	[sflag:s12] =	ssyncset.done $0x0  }
0xe1: {  	[sflag:s12] =	ssyncadd.s32 $0xFFFFFFC0  }
0xe2: {  	v5 =	vld [tilespmem:$0x187A0];
	_ =	sdelay $0x4  }
0xe3: {  	v6 =	vld [tilespmem:$0x187B0];
	(v2sf) =	vpush v5, $0x0  }
0xe4: {  	(v2sf) =	vpush v5, $0x4  }
0xe5: {  	(v2sf) =	vpush v5, $0x1  }
0xe6: {  	(v2sf) =	vpush v5, $0x2  }
0xe7: {  	(v2sf) =	vpush v5, $0x3  }
0xe8: {  	v5 =	vld [tilespmem:$0x187C0];
	(v2sf) =	vpush v6, $0x0  }
0xe9: {  	(v2sf) =	vpush v6, $0x4  }
0xea: {  	(v2sf) =	vpush v6, $0x1  }
0xeb: {  	(v2sf) =	vpush v6, $0x2  }
0xec: {  	(v2sf) =	vpush v6, $0x3  }
0xed: {  	v6 =	vld [tilespmem:$0x187D0];
	(v2sf) =	vpush v5, $0x0  }
0xee: {  	(v2sf) =	vpush v5, $0x4  }
0xef: {  	(v2sf) =	vpush v5, $0x1  }
0xf0: {  	(v2sf) =	vpush v5, $0x2  }
0xf1: {  	(v2sf) =	vpush v5, $0x3  }
0xf2: {  	s0 =	spop (v2sf);
	(v2sf) =	vpush v6, $0x0  }
0xf3: {  	s23 =	spop (v2sf)  }
0xf4: {  	(v2sf) =	vpush v6, $0x4;
	s24 =	spop (v2sf)  }
0xf5: {  	(v2sf) =	vpush v6, $0x1;
	s25 =	spop (v2sf)  }
0xf6: {  	(v2sf) =	vpush v6, $0x2;
	s26 =	spop (v2sf)  }
0xf7: {  	(v2sf) =	vpush v6, $0x3;
	s1 =	spop (v2sf)  }
0xf8: {  	s4 =	spop (v2sf)  }
0xf9: {  	s13 =	spop (v2sf)  }
0xfa: {  	s14 =	spop (v2sf)  }
0xfb: {  	s28 =	spop (v2sf)  }
0xfc: {  	p1 =	sgt.f32 s1, s0;
	s29 =	spop (v2sf)  }
0xfd: {  	s30 =	spop (v2sf)  }
0xfe: {  	s0 =	smov.u32 @p1 s1;
	s31 =	spop (v2sf)  }
0xff: {  	s22 =	sadd.s32 $0x1, s22;
	p2 =	sgt.f32 s29, s0;
	s1 =	spop (v2sf)  }
0x100: {  	s23 =	smov.u32 @p1 s4;
	s24 =	smov.u32 @p1 s13;
	s5 =	spop (v2sf)  }
0x101: {  	s25 =	smov.u32 @p1 s14;
	s0 =	smov.u32 @p2 s29;
	s29 =	spop (v2sf)  }
0x102: {  	s26 =	smov.u32 @p1 s28;
	p1 =	sne.s32 s22, $0x80;
	p0 =	sgt.f32 s29, s0  }
.Ltmp3:
0x103: {  	s0 =	spop (v2sf);
	(pc) =	sbr.rel @p1 .LBB2_4-.Ltmp3, $4  }
0x104: {  	s23 =	smov.u32 @p2 s30;
	s25 =	smov.u32 @p2 s1;
	s1 =	spop (v2sf)  }
0x105: {  	s24 =	smov.u32 @p2 s31;
	s23 =	smov.u32 @p0 s0;
	s0 =	spop (v2sf)  }
0x106: {  	s26 =	smov.u32 @p2 s5;
	s24 =	smov.u32 @p0 s1;
	s1 =	spop (v2sf)  }
0x107: {  	s25 =	smov.u32 @p0 s0;
	s26 =	smov.u32 @p0 s1  }
0x108: {  	s20 =	sadd.s32 $0x1, s20  }
0x109: {  	p0 =	sne.s32 s20, s11  }
.Ltmp4:
0x10a: {  	_ = 	snop;
	(pc) =	sbr.rel @p0 .LBB2_1-.Ltmp4, $4  }
0x10b: {  	[hbm4b:s10+s3] =	stream.linear.scatter [tilespmem:s17], [sflag:$0x1], $0x80, $0x38;
	[tilespmem:$0x187F0] =	vst v63  }
0x10c: {  	_ =	swait.ge [sflag:s12], $0x80  }
0x10d: {  	[sflag:s12] =	ssyncset.done $0x0  }
0x10e: {  	[sflag:s12] =	ssyncadd.s32 $0xFFFFFF80  }
0x10f: {  	_ =	sfence.sel $0x180000  }
0x110: {  	[bflag:$0x0] =	sbarrier.arrive $0xFFFF  }
0x111: {  	_ =	strace $0x90000047  }
0x112: {  	s0 =	stileid.u32;
	[bflag:$0x2] =	sbarrier.arrive $0xFFFF  }
0x113: {  	p0 =	sne.s32 s0, $0x0;
	s0 =	rddreg [dreg:$0x3]  }
0x114: {  	s0 =	sadd.s32 @!p0 $0x100000, s0  }
0x115: {  	[sflag:s0] =	ssyncadd.tile.s32 @!p0 $0x1;
	_ =	shalt  }
.Lfunc_end2:
_tile_overlayer_lowered:
.L_overlay_start_2:
0x116: {  	(tag) =	ssettag $0x2  }
0x117: {  	s0 =	rddreg [dreg:$0x0];
	s2 =	stileid.u32  }
0x118: {  	s1 =	rddreg [dreg:$0x1];
	p0 =	sne.s32 s2, $0x0  }
0x119: {  	s3 =	rddreg [dreg:$0x2];
	[bflag:$0x3] =	sbarrier.arrive $0xFFFF;
	s2 =	simm.s32 @!p0 $0x1C01  }
0x11a: {  	[timem:s3], [sflag:s2] =	dma.local @!p0 [hbm:s0], s1  }
0x11b: {  	s0 =	simm.s32 @!p0 $0x1  }
0x11c: {  	_ =	swait.ge @!p0 [sflag:s0], s1  }
0x11d: {  	s1 =	ssub.s32 @!p0 $0x0, s1;
	[sflag:s0] =	ssyncset.done @!p0 $0x0  }
0x11e: {  	[sflag:s0] =	ssyncadd.s32 @!p0 s1  }
0x11f: {  	[bflag:$0x3] =	sbarrier.arrive $0xFFFF  }
0x120: {  	_ =	shalt  }

</sc_bundles>
